<compile_context>
chip_gen: v7x
topology: tpu7x:2x2x1
jax: 0.10.2.dev20260603
libtpu: 0.0.44.dev20260713+nightly
codegen_flags: <defaults>
</compile_context>

<pallas_src>
import jax
import jax.numpy as jnp
from jax import lax
from jax.experimental import pallas as pl
from jax.experimental.pallas import tpu as pltpu
from jax.experimental.pallas import tpu_sc as plsc

NC = 2
NS = 16
NW = NC * NS
L = 16

D = 5
TABLE_ROWS = 1000

N_I = 16384
N_J = 200

W_COLS = N_I // NW
R_ROWS = 8
R_COLS = 128
NTI = W_COLS // R_COLS
NTJ = N_J // R_ROWS
NROUNDS = NTI * NTJ
GROUPS = (R_ROWS * R_COLS) // L


def _sc_body(label_h, emb_h, out_h, table_v, lbl_v, buf_a, buf_b, sem_a, sem_b):
    wid = lax.axis_index("s") * NC + lax.axis_index("c")
    iw = wid * W_COLS

    pltpu.sync_copy(emb_h, table_v)
    pltpu.sync_copy(label_h.at[:, pl.ds(iw, W_COLS)], lbl_v)

    def compute(rho, buf):
        ti = lax.rem(rho, NTI)
        tj = lax.div(rho, NTI)
        j0 = tj * R_ROWS
        i0 = ti * R_COLS

        @plsc.parallel_loop(0, GROUPS, unroll=8)
        def group_body(g):
            jj = g >> 3
            ii0 = (g & 7) * L
            lbl = lbl_v[j0 + jj, pl.ds(i0 + ii0, L)]
            for k in range(D):
                vals = plsc.load_gather(table_v, [lbl + k * TABLE_ROWS])
                buf[k, jj, pl.ds(ii0, L)] = vals

        return j0, i0

    def issue(j0, i0, buf, sem):
        for k in range(D):
            pltpu.async_copy(
                buf.at[k],
                out_h.at[k, pl.ds(j0, R_ROWS), pl.ds(iw + i0, R_COLS)],
                sem,
            )

    def drain(buf, sem):
        for k in range(D):
            pltpu.make_async_copy(
                buf.at[k],
                out_h.at[k, pl.ds(0, R_ROWS), pl.ds(iw, R_COLS)],
                sem,
            ).wait()

    j0, i0 = compute(0, buf_a)
    issue(j0, i0, buf_a, sem_a)
    j0, i0 = compute(1, buf_b)
    issue(j0, i0, buf_b, sem_b)

    def pipe_body(t, carry):
        rho = 2 * t + 2
        drain(buf_a, sem_a)
        j0, i0 = compute(rho, buf_a)
        issue(j0, i0, buf_a, sem_a)
        drain(buf_b, sem_b)
        j0b, i0b = compute(rho + 1, buf_b)
        issue(j0b, i0b, buf_b, sem_b)
        return carry

    lax.fori_loop(0, (NROUNDS - 2) // 2, pipe_body, 0)
    drain(buf_a, sem_a)
    drain(buf_b, sem_b)


def kernel(label, emb):
    table_t = emb.T.reshape(-1)
    label_t = label.T

    mesh = plsc.VectorSubcoreMesh(core_axis_name="c", subcore_axis_name="s")
    run = pl.kernel(
        _sc_body,
        out_type=jax.ShapeDtypeStruct((D, N_J, N_I), jnp.float32),
        mesh=mesh,
        compiler_params=pltpu.CompilerParams(needs_layout_passes=False),
        scratch_types=[
            pltpu.VMEM((TABLE_ROWS * D,), jnp.float32),
            pltpu.VMEM((N_J, W_COLS), jnp.int32),
            pltpu.VMEM((D, R_ROWS, R_COLS), jnp.float32),
            pltpu.VMEM((D, R_ROWS, R_COLS), jnp.float32),
            pltpu.SemaphoreType.DMA,
            pltpu.SemaphoreType.DMA,
        ],
    )
    out_planar = run(label_t, table_t)
    return jnp.transpose(out_planar, (2, 1, 0))

# --- scband reference (transcript-rebuilt; emitter-appended) ---
"""Pipeline reference for scband-class-embeding-82437602279836 (READ-ONLY COPY).

The authoritative reference and input builder live on the scoring server;
editing this copy changes nothing except your own understanding.
"""

import jax, jax.numpy as jnp
import numpy as np
import math

CLASSN = 1000
BIT_EACH_CHANNEL = 2
CLASS0_IS_ZEROS = True


def get_class_embeding(classn=CLASSN, bit_each_channel=BIT_EACH_CHANNEL, class0_is_zeros=CLASS0_IS_ZEROS):
    num_base = 1 << bit_each_channel
    emb_length = int(math.log2(classn - 1) / bit_each_channel) + 1
    lin = np.linspace(-1.0, 1.0, num_base).astype(np.float32)
    emb = np.zeros((classn, emb_length), dtype=np.float32)
    for classi in range(classn):
        if class0_is_zeros and classi == 0:
            continue
        x = classi
        digits = []
        for _ in range(emb_length):
            digits.append(x % num_base)
            x //= num_base
        digits = digits[::-1]  # most significant chunk first, matching bit-string slicing
        emb[classi] = lin[digits]
    return jnp.asarray(emb)


def setup_inputs(seed: int = 0) -> dict:
    key = jax.random.key(seed)
    k1, _ = jax.random.split(key)
    label = jax.random.randint(k1, (16384, 200), 0, CLASSN, dtype=jnp.int64 if jax.config.jax_enable_x64 else jnp.int32)
    emb = get_class_embeding()
    return {"label": label, "emb": emb}


def reference(label, emb):
    # label is integer dtype here (no argmax branch needed); pure gather
    label_embs = jnp.take(emb, label, axis=0)
    return label_embs

if __name__ == "__main__":
    import jax
    _d = setup_inputs()
    print(jax.jit(kernel)(*tuple(_d.values())))

</pallas_src>

<mosaic_0001>
#map = affine_map<(d0, d1) -> (0, 0)>
#map1 = affine_map<(d0, d1) -> (0)>
#map2 = affine_map<(d0, d1) -> (0, 0, 0)>
module attributes {stable_mosaic.version = 14 : i64} {
  func.func @_sc_body(%arg0: i32, %arg1: i32, %arg2: memref<200x16384xi32, #tpu.memory_space<hbm>>, %arg3: memref<5000xf32, #tpu.memory_space<hbm>>, %arg4: memref<5x200x16384xf32, #tpu.memory_space<hbm>>, %arg5: memref<5000xf32, #tpu.memory_space<vmem>>, %arg6: memref<200x512xi32, #tpu.memory_space<vmem>>, %arg7: memref<5x8x128xf32, #tpu.memory_space<vmem>>, %arg8: memref<5x8x128xf32, #tpu.memory_space<vmem>>, %arg9: memref<!tpu.dma_semaphore, #tpu.memory_space<semaphore_mem>>, %arg10: memref<!tpu.dma_semaphore, #tpu.memory_space<semaphore_mem>>) attributes {dimension_semantics = [#tpu.dimension_semantics<core_parallel>, #tpu.dimension_semantics<subcore_parallel>], iteration_bounds = array<i64: 2, 16>, scalar_prefetch = 0 : i64, scratch_operands = 6 : i64, tpu.core_type = #tpu.core_type<sc_vector_subcore>, window_params = [{transform_indices = #map}, {transform_indices = #map1}, {transform_indices = #map2}]} {
    %mul3A = arith.constant 2 : i32
    %mul3A_0 = arith.muli %arg1, %mul3A : i32
    %add3A = arith.addi %mul3A_0, %arg0 : i32
    %mul3A_1 = arith.constant 512 : i32
    %mul3A_2 = arith.muli %add3A, %mul3A_1 : i32
    "tpu.region"() ({
      %run_scoped3A = tpu.sem_alloc : memref<!tpu.dma_semaphore, #tpu.memory_space<semaphore_mem>>
      tpu.enqueue_dma source(%arg3 : memref<5000xf32, #tpu.memory_space<hbm>>) target(%arg5 : memref<5000xf32, #tpu.memory_space<vmem>>) target_semaphore(%run_scoped3A : memref<!tpu.dma_semaphore, #tpu.memory_space<semaphore_mem>>)
      tpu.wait_dma2 semaphore(%run_scoped3A : memref<!tpu.dma_semaphore, #tpu.memory_space<semaphore_mem>>) src(%arg3 : memref<5000xf32, #tpu.memory_space<hbm>>) dst(%arg5 : memref<5000xf32, #tpu.memory_space<vmem>>)
      tpu.yield
    }) : () -> ()
    "tpu.region"() ({
      %run_scoped3A = tpu.sem_alloc : memref<!tpu.dma_semaphore, #tpu.memory_space<semaphore_mem>>
      %dma_start3A_339 = arith.constant 0 : i32
      %dma_start3A_340 = tpu.memref_slice %arg2[%dma_start3A_339, %mul3A_2] : memref<200x16384xi32, #tpu.memory_space<hbm>> -> memref<200x512xi32, #tpu.memory_space<hbm>>
      %dma_start3A_341 = arith.constant 0 : i32
      %dma_start3A_342 = tpu.memref_slice %arg2[%dma_start3A_341, %mul3A_2] : memref<200x16384xi32, #tpu.memory_space<hbm>> -> memref<200x512xi32, #tpu.memory_space<hbm>>
      tpu.enqueue_dma source(%dma_start3A_342 : memref<200x512xi32, #tpu.memory_space<hbm>>) target(%arg6 : memref<200x512xi32, #tpu.memory_space<vmem>>) target_semaphore(%run_scoped3A : memref<!tpu.dma_semaphore, #tpu.memory_space<semaphore_mem>>)
      %dma_wait3A_343 = arith.constant 0 : i32
      %dma_wait3A_344 = tpu.memref_slice %arg2[%dma_wait3A_343, %mul3A_2] : memref<200x16384xi32, #tpu.memory_space<hbm>> -> memref<200x512xi32, #tpu.memory_space<hbm>>
      %dma_wait3A_345 = arith.constant 0 : i32
      %dma_wait3A_346 = tpu.memref_slice %arg2[%dma_wait3A_345, %mul3A_2] : memref<200x16384xi32, #tpu.memory_space<hbm>> -> memref<200x512xi32, #tpu.memory_space<hbm>>
      tpu.wait_dma2 semaphore(%run_scoped3A : memref<!tpu.dma_semaphore, #tpu.memory_space<semaphore_mem>>) src(%dma_wait3A_346 : memref<200x512xi32, #tpu.memory_space<hbm>>) dst(%arg6 : memref<200x512xi32, #tpu.memory_space<vmem>>)
      tpu.yield
    }) : () -> ()
    %rem3A = arith.constant 0 : i32
    %rem3A_3 = arith.constant 4 : i32
    %rem3A_4 = arith.remsi %rem3A, %rem3A_3 : i32
    %div3A = arith.constant 0 : i32
    %div3A_5 = arith.constant 4 : i32
    %div3A_6 = arith.divsi %div3A, %div3A_5 : i32
    %mul3A_7 = arith.constant 8 : i32
    %mul3A_8 = arith.muli %div3A_6, %mul3A_7 : i32
    %mul3A_9 = arith.constant 128 : i32
    %mul3A_10 = arith.muli %rem3A_4, %mul3A_9 : i32
    %parallel_loop3A = arith.constant 0 : i32
    %parallel_loop3A_11 = arith.constant 64 : i32
    %parallel_loop3A_12 = arith.constant 1 : i32
    scf.for %parallel_loop3A_339 = %parallel_loop3A to %parallel_loop3A_11 step %parallel_loop3A_12  : i32 {
      %parallel_loop3A_340 = arith.constant 3 : i32
      %parallel_loop3A_341 = arith.shrsi %parallel_loop3A_339, %parallel_loop3A_340 : i32
      %parallel_loop3A_342 = arith.constant 7 : i32
      %parallel_loop3A_343 = arith.andi %parallel_loop3A_339, %parallel_loop3A_342 : i32
      %parallel_loop3A_344 = arith.constant 16 : i32
      %parallel_loop3A_345 = arith.muli %parallel_loop3A_343, %parallel_loop3A_344 : i32
      %parallel_loop3A_346 = arith.addi %mul3A_8, %parallel_loop3A_341 : i32
      %parallel_loop3A_347 = arith.addi %mul3A_10, %parallel_loop3A_345 : i32
      %parallel_loop3A_348 = arith.index_cast %parallel_loop3A_346 : i32 to index
      %parallel_loop3A_349 = arith.index_cast %parallel_loop3A_347 : i32 to index
      %parallel_loop3A_350 = tpu.vector_load %arg6[%parallel_loop3A_348, %parallel_loop3A_349] {strides = array<i32>} : memref<200x512xi32, #tpu.memory_space<vmem>>, vector<16xi32>,
      %parallel_loop3A_351 = arith.constant 0 : i32
      %parallel_loop3A_352 = vector.broadcast %parallel_loop3A_351 : i32 to vector<16xi32>
      %parallel_loop3A_353 = arith.addi %parallel_loop3A_350, %parallel_loop3A_352 : vector<16xi32>
      %parallel_loop3A_354 = tpu.vector_load_idx %arg5[%parallel_loop3A_353] : memref<5000xf32, #tpu.memory_space<vmem>>[vector<16xi32>], vector<16xf32>,
      %parallel_loop3A_355 = arith.constant 0 : i32
      %parallel_loop3A_356 = arith.index_cast %parallel_loop3A_355 : i32 to index
      %parallel_loop3A_357 = arith.index_cast %parallel_loop3A_341 : i32 to index
      %parallel_loop3A_358 = arith.index_cast %parallel_loop3A_345 : i32 to index
      %parallel_loop3A_359 = tpu.vector_load %arg7[%parallel_loop3A_356, %parallel_loop3A_357, %parallel_loop3A_358] {strides = array<i32>} : memref<5x8x128xf32, #tpu.memory_space<vmem>>, vector<16xf32>,
      tpu.vector_store %arg7[%parallel_loop3A_356, %parallel_loop3A_357, %parallel_loop3A_358], %parallel_loop3A_354 {strides = array<i32>} : memref<5x8x128xf32, #tpu.memory_space<vmem>>, vector<16xf32>,
      %parallel_loop3A_360 = arith.constant 1000 : i32
      %parallel_loop3A_361 = vector.broadcast %parallel_loop3A_360 : i32 to vector<16xi32>
      %parallel_loop3A_362 = arith.addi %parallel_loop3A_350, %parallel_loop3A_361 : vector<16xi32>
      %parallel_loop3A_363 = tpu.vector_load_idx %arg5[%parallel_loop3A_362] : memref<5000xf32, #tpu.memory_space<vmem>>[vector<16xi32>], vector<16xf32>,
      %parallel_loop3A_364 = arith.constant 1 : i32
      %parallel_loop3A_365 = arith.index_cast %parallel_loop3A_364 : i32 to index
      %parallel_loop3A_366 = arith.index_cast %parallel_loop3A_341 : i32 to index
      %parallel_loop3A_367 = arith.index_cast %parallel_loop3A_345 : i32 to index
      %parallel_loop3A_368 = tpu.vector_load %arg7[%parallel_loop3A_365, %parallel_loop3A_366, %parallel_loop3A_367] {strides = array<i32>} : memref<5x8x128xf32, #tpu.memory_space<vmem>>, vector<16xf32>,
      tpu.vector_store %arg7[%parallel_loop3A_365, %parallel_loop3A_366, %parallel_loop3A_367], %parallel_loop3A_363 {strides = array<i32>} : memref<5x8x128xf32, #tpu.memory_space<vmem>>, vector<16xf32>,
      %parallel_loop3A_369 = arith.constant 2000 : i32
      %parallel_loop3A_370 = vector.broadcast %parallel_loop3A_369 : i32 to vector<16xi32>
      %parallel_loop3A_371 = arith.addi %parallel_loop3A_350, %parallel_loop3A_370 : vector<16xi32>
      %parallel_loop3A_372 = tpu.vector_load_idx %arg5[%parallel_loop3A_371] : memref<5000xf32, #tpu.memory_space<vmem>>[vector<16xi32>], vector<16xf32>,
      %parallel_loop3A_373 = arith.constant 2 : i32
      %parallel_loop3A_374 = arith.index_cast %parallel_loop3A_373 : i32 to index
      %parallel_loop3A_375 = arith.index_cast %parallel_loop3A_341 : i32 to index
      %parallel_loop3A_376 = arith.index_cast %parallel_loop3A_345 : i32 to index
      %parallel_loop3A_377 = tpu.vector_load %arg7[%parallel_loop3A_374, %parallel_loop3A_375, %parallel_loop3A_376] {strides = array<i32>} : memref<5x8x128xf32, #tpu.memory_space<vmem>>, vector<16xf32>,
      tpu.vector_store %arg7[%parallel_loop3A_374, %parallel_loop3A_375, %parallel_loop3A_376], %parallel_loop3A_372 {strides = array<i32>} : memref<5x8x128xf32, #tpu.memory_space<vmem>>, vector<16xf32>,
      %parallel_loop3A_378 = arith.constant 3000 : i32
      %parallel_loop3A_379 = vector.broadcast %parallel_loop3A_378 : i32 to vector<16xi32>
      %parallel_loop3A_380 = arith.addi %parallel_loop3A_350, %parallel_loop3A_379 : vector<16xi32>
      %parallel_loop3A_381 = tpu.vector_load_idx %arg5[%parallel_loop3A_380] : memref<5000xf32, #tpu.memory_space<vmem>>[vector<16xi32>], vector<16xf32>,
      %parallel_loop3A_382 = arith.constant 3 : i32
      %parallel_loop3A_383 = arith.index_cast %parallel_loop3A_382 : i32 to index
      %parallel_loop3A_384 = arith.index_cast %parallel_loop3A_341 : i32 to index
      %parallel_loop3A_385 = arith.index_cast %parallel_loop3A_345 : i32 to index
      %parallel_loop3A_386 = tpu.vector_load %arg7[%parallel_loop3A_383, %parallel_loop3A_384, %parallel_loop3A_385] {strides = array<i32>} : memref<5x8x128xf32, #tpu.memory_space<vmem>>, vector<16xf32>,
      tpu.vector_store %arg7[%parallel_loop3A_383, %parallel_loop3A_384, %parallel_loop3A_385], %parallel_loop3A_381 {strides = array<i32>} : memref<5x8x128xf32, #tpu.memory_space<vmem>>, vector<16xf32>,
      %parallel_loop3A_387 = arith.constant 4000 : i32
      %parallel_loop3A_388 = vector.broadcast %parallel_loop3A_387 : i32 to vector<16xi32>
      %parallel_loop3A_389 = arith.addi %parallel_loop3A_350, %parallel_loop3A_388 : vector<16xi32>
      %parallel_loop3A_390 = tpu.vector_load_idx %arg5[%parallel_loop3A_389] : memref<5000xf32, #tpu.memory_space<vmem>>[vector<16xi32>], vector<16xf32>,
      %parallel_loop3A_391 = arith.constant 4 : i32
      %parallel_loop3A_392 = arith.index_cast %parallel_loop3A_391 : i32 to index
      %parallel_loop3A_393 = arith.index_cast %parallel_loop3A_341 : i32 to index
      %parallel_loop3A_394 = arith.index_cast %parallel_loop3A_345 : i32 to index
      %parallel_loop3A_395 = tpu.vector_load %arg7[%parallel_loop3A_392, %parallel_loop3A_393, %parallel_loop3A_394] {strides = array<i32>} : memref<5x8x128xf32, #tpu.memory_space<vmem>>, vector<16xf32>,
      tpu.vector_store %arg7[%parallel_loop3A_392, %parallel_loop3A_393, %parallel_loop3A_394], %parallel_loop3A_390 {strides = array<i32>} : memref<5x8x128xf32, #tpu.memory_space<vmem>>, vector<16xf32>,
    } {sc.loop_unroll_factor = 8 : i64, sc.parallel_access}
    %add3A_13 = arith.addi %mul3A_2, %mul3A_10 : i32
    %dma_start3A = arith.constant 0 : i32
    %dma_start3A_14 = arith.constant 0 : i32
    %dma_start3A_15 = arith.constant 0 : i32
    %dma_start3A_16 = arith.constant 0 : i32
    %dma_start3A_17 = tpu.memref_slice %arg7[%dma_start3A, %dma_start3A_15, %dma_start3A_16] : memref<5x8x128xf32, #tpu.memory_space<vmem>> -> memref<1x8x128xf32, #tpu.memory_space<vmem>>
    %dma_start3A_18 = tpu.memref_squeeze %dma_start3A_17 : memref<1x8x128xf32, #tpu.memory_space<vmem>> -> memref<8x128xf32, #tpu.memory_space<vmem>>
    %dma_start3A_19 = tpu.memref_slice %arg4[%dma_start3A_14, %mul3A_8, %add3A_13] : memref<5x200x16384xf32, #tpu.memory_space<hbm>> -> memref<1x8x128xf32, #tpu.memory_space<hbm>>
    %dma_start3A_20 = tpu.memref_squeeze %dma_start3A_19 : memref<1x8x128xf32, #tpu.memory_space<hbm>> -> memref<8x128xf32, #tpu.memory_space<hbm>>
    %dma_start3A_21 = tpu.memref_slice %arg4[%dma_start3A_14, %mul3A_8, %add3A_13] : memref<5x200x16384xf32, #tpu.memory_space<hbm>> -> memref<1x8x128xf32, #tpu.memory_space<hbm>>
    %dma_start3A_22 = tpu.memref_squeeze %dma_start3A_21 : memref<1x8x128xf32, #tpu.memory_space<hbm>> -> memref<8x128xf32, #tpu.memory_space<hbm>>
    %dma_start3A_23 = arith.constant 0 : i32
    %dma_start3A_24 = arith.constant 0 : i32
    %dma_start3A_25 = tpu.memref_slice %arg7[%dma_start3A, %dma_start3A_23, %dma_start3A_24] : memref<5x8x128xf32, #tpu.memory_space<vmem>> -> memref<1x8x128xf32, #tpu.memory_space<vmem>>
    %dma_start3A_26 = tpu.memref_squeeze %dma_start3A_25 : memref<1x8x128xf32, #tpu.memory_space<vmem>> -> memref<8x128xf32, #tpu.memory_space<vmem>>
    tpu.enqueue_dma source(%dma_start3A_26 : memref<8x128xf32, #tpu.memory_space<vmem>>) target(%dma_start3A_22 : memref<8x128xf32, #tpu.memory_space<hbm>>) target_semaphore(%arg9 : memref<!tpu.dma_semaphore, #tpu.memory_space<semaphore_mem>>)
    %add3A_27 = arith.addi %mul3A_2, %mul3A_10 : i32
    %dma_start3A_28 = arith.constant 1 : i32
    %dma_start3A_29 = arith.constant 1 : i32
    %dma_start3A_30 = arith.constant 0 : i32
    %dma_start3A_31 = arith.constant 0 : i32
    %dma_start3A_32 = tpu.memref_slice %arg7[%dma_start3A_28, %dma_start3A_30, %dma_start3A_31] : memref<5x8x128xf32, #tpu.memory_space<vmem>> -> memref<1x8x128xf32, #tpu.memory_space<vmem>>
    %dma_start3A_33 = tpu.memref_squeeze %dma_start3A_32 : memref<1x8x128xf32, #tpu.memory_space<vmem>> -> memref<8x128xf32, #tpu.memory_space<vmem>>
    %dma_start3A_34 = tpu.memref_slice %arg4[%dma_start3A_29, %mul3A_8, %add3A_27] : memref<5x200x16384xf32, #tpu.memory_space<hbm>> -> memref<1x8x128xf32, #tpu.memory_space<hbm>>
    %dma_start3A_35 = tpu.memref_squeeze %dma_start3A_34 : memref<1x8x128xf32, #tpu.memory_space<hbm>> -> memref<8x128xf32, #tpu.memory_space<hbm>>
    %dma_start3A_36 = tpu.memref_slice %arg4[%dma_start3A_29, %mul3A_8, %add3A_27] : memref<5x200x16384xf32, #tpu.memory_space<hbm>> -> memref<1x8x128xf32, #tpu.memory_space<hbm>>
    %dma_start3A_37 = tpu.memref_squeeze %dma_start3A_36 : memref<1x8x128xf32, #tpu.memory_space<hbm>> -> memref<8x128xf32, #tpu.memory_space<hbm>>
    %dma_start3A_38 = arith.constant 0 : i32
    %dma_start3A_39 = arith.constant 0 : i32
    %dma_start3A_40 = tpu.memref_slice %arg7[%dma_start3A_28, %dma_start3A_38, %dma_start3A_39] : memref<5x8x128xf32, #tpu.memory_space<vmem>> -> memref<1x8x128xf32, #tpu.memory_space<vmem>>
    %dma_start3A_41 = tpu.memref_squeeze %dma_start3A_40 : memref<1x8x128xf32, #tpu.memory_space<vmem>> -> memref<8x128xf32, #tpu.memory_space<vmem>>
    tpu.enqueue_dma source(%dma_start3A_41 : memref<8x128xf32, #tpu.memory_space<vmem>>) target(%dma_start3A_37 : memref<8x128xf32, #tpu.memory_space<hbm>>) target_semaphore(%arg9 : memref<!tpu.dma_semaphore, #tpu.memory_space<semaphore_mem>>)
    %add3A_42 = arith.addi %mul3A_2, %mul3A_10 : i32
    %dma_start3A_43 = arith.constant 2 : i32
    %dma_start3A_44 = arith.constant 2 : i32
    %dma_start3A_45 = arith.constant 0 : i32
    %dma_start3A_46 = arith.constant 0 : i32
    %dma_start3A_47 = tpu.memref_slice %arg7[%dma_start3A_43, %dma_start3A_45, %dma_start3A_46] : memref<5x8x128xf32, #tpu.memory_space<vmem>> -> memref<1x8x128xf32, #tpu.memory_space<vmem>>
    %dma_start3A_48 = tpu.memref_squeeze %dma_start3A_47 : memref<1x8x128xf32, #tpu.memory_space<vmem>> -> memref<8x128xf32, #tpu.memory_space<vmem>>
    %dma_start3A_49 = tpu.memref_slice %arg4[%dma_start3A_44, %mul3A_8, %add3A_42] : memref<5x200x16384xf32, #tpu.memory_space<hbm>> -> memref<1x8x128xf32, #tpu.memory_space<hbm>>
    %dma_start3A_50 = tpu.memref_squeeze %dma_start3A_49 : memref<1x8x128xf32, #tpu.memory_space<hbm>> -> memref<8x128xf32, #tpu.memory_space<hbm>>
    %dma_start3A_51 = tpu.memref_slice %arg4[%dma_start3A_44, %mul3A_8, %add3A_42] : memref<5x200x16384xf32, #tpu.memory_space<hbm>> -> memref<1x8x128xf32, #tpu.memory_space<hbm>>
    %dma_start3A_52 = tpu.memref_squeeze %dma_start3A_51 : memref<1x8x128xf32, #tpu.memory_space<hbm>> -> memref<8x128xf32, #tpu.memory_space<hbm>>
    %dma_start3A_53 = arith.constant 0 : i32
    %dma_start3A_54 = arith.constant 0 : i32
    %dma_start3A_55 = tpu.memref_slice %arg7[%dma_start3A_43, %dma_start3A_53, %dma_start3A_54] : memref<5x8x128xf32, #tpu.memory_space<vmem>> -> memref<1x8x128xf32, #tpu.memory_space<vmem>>
    %dma_start3A_56 = tpu.memref_squeeze %dma_start3A_55 : memref<1x8x128xf32, #tpu.memory_space<vmem>> -> memref<8x128xf32, #tpu.memory_space<vmem>>
    tpu.enqueue_dma source(%dma_start3A_56 : memref<8x128xf32, #tpu.memory_space<vmem>>) target(%dma_start3A_52 : memref<8x128xf32, #tpu.memory_space<hbm>>) target_semaphore(%arg9 : memref<!tpu.dma_semaphore, #tpu.memory_space<semaphore_mem>>)
    %add3A_57 = arith.addi %mul3A_2, %mul3A_10 : i32
    %dma_start3A_58 = arith.constant 3 : i32
    %dma_start3A_59 = arith.constant 3 : i32
    %dma_start3A_60 = arith.constant 0 : i32
    %dma_start3A_61 = arith.constant 0 : i32
    %dma_start3A_62 = tpu.memref_slice %arg7[%dma_start3A_58, %dma_start3A_60, %dma_start3A_61] : memref<5x8x128xf32, #tpu.memory_space<vmem>> -> memref<1x8x128xf32, #tpu.memory_space<vmem>>
    %dma_start3A_63 = tpu.memref_squeeze %dma_start3A_62 : memref<1x8x128xf32, #tpu.memory_space<vmem>> -> memref<8x128xf32, #tpu.memory_space<vmem>>
    %dma_start3A_64 = tpu.memref_slice %arg4[%dma_start3A_59, %mul3A_8, %add3A_57] : memref<5x200x16384xf32, #tpu.memory_space<hbm>> -> memref<1x8x128xf32, #tpu.memory_space<hbm>>
    %dma_start3A_65 = tpu.memref_squeeze %dma_start3A_64 : memref<1x8x128xf32, #tpu.memory_space<hbm>> -> memref<8x128xf32, #tpu.memory_space<hbm>>
    %dma_start3A_66 = tpu.memref_slice %arg4[%dma_start3A_59, %mul3A_8, %add3A_57] : memref<5x200x16384xf32, #tpu.memory_space<hbm>> -> memref<1x8x128xf32, #tpu.memory_space<hbm>>
    %dma_start3A_67 = tpu.memref_squeeze %dma_start3A_66 : memref<1x8x128xf32, #tpu.memory_space<hbm>> -> memref<8x128xf32, #tpu.memory_space<hbm>>
    %dma_start3A_68 = arith.constant 0 : i32
    %dma_start3A_69 = arith.constant 0 : i32
    %dma_start3A_70 = tpu.memref_slice %arg7[%dma_start3A_58, %dma_start3A_68, %dma_start3A_69] : memref<5x8x128xf32, #tpu.memory_space<vmem>> -> memref<1x8x128xf32, #tpu.memory_space<vmem>>
    %dma_start3A_71 = tpu.memref_squeeze %dma_start3A_70 : memref<1x8x128xf32, #tpu.memory_space<vmem>> -> memref<8x128xf32, #tpu.memory_space<vmem>>
    tpu.enqueue_dma source(%dma_start3A_71 : memref<8x128xf32, #tpu.memory_space<vmem>>) target(%dma_start3A_67 : memref<8x128xf32, #tpu.memory_space<hbm>>) target_semaphore(%arg9 : memref<!tpu.dma_semaphore, #tpu.memory_space<semaphore_mem>>)
    %add3A_72 = arith.addi %mul3A_2, %mul3A_10 : i32
    %dma_start3A_73 = arith.constant 4 : i32
    %dma_start3A_74 = arith.constant 4 : i32
    %dma_start3A_75 = arith.constant 0 : i32
    %dma_start3A_76 = arith.constant 0 : i32
    %dma_start3A_77 = tpu.memref_slice %arg7[%dma_start3A_73, %dma_start3A_75, %dma_start3A_76] : memref<5x8x128xf32, #tpu.memory_space<vmem>> -> memref<1x8x128xf32, #tpu.memory_space<vmem>>
    %dma_start3A_78 = tpu.memref_squeeze %dma_start3A_77 : memref<1x8x128xf32, #tpu.memory_space<vmem>> -> memref<8x128xf32, #tpu.memory_space<vmem>>
    %dma_start3A_79 = tpu.memref_slice %arg4[%dma_start3A_74, %mul3A_8, %add3A_72] : memref<5x200x16384xf32, #tpu.memory_space<hbm>> -> memref<1x8x128xf32, #tpu.memory_space<hbm>>
    %dma_start3A_80 = tpu.memref_squeeze %dma_start3A_79 : memref<1x8x128xf32, #tpu.memory_space<hbm>> -> memref<8x128xf32, #tpu.memory_space<hbm>>
    %dma_start3A_81 = tpu.memref_slice %arg4[%dma_start3A_74, %mul3A_8, %add3A_72] : memref<5x200x16384xf32, #tpu.memory_space<hbm>> -> memref<1x8x128xf32, #tpu.memory_space<hbm>>
    %dma_start3A_82 = tpu.memref_squeeze %dma_start3A_81 : memref<1x8x128xf32, #tpu.memory_space<hbm>> -> memref<8x128xf32, #tpu.memory_space<hbm>>
    %dma_start3A_83 = arith.constant 0 : i32
    %dma_start3A_84 = arith.constant 0 : i32
    %dma_start3A_85 = tpu.memref_slice %arg7[%dma_start3A_73, %dma_start3A_83, %dma_start3A_84] : memref<5x8x128xf32, #tpu.memory_space<vmem>> -> memref<1x8x128xf32, #tpu.memory_space<vmem>>
    %dma_start3A_86 = tpu.memref_squeeze %dma_start3A_85 : memref<1x8x128xf32, #tpu.memory_space<vmem>> -> memref<8x128xf32, #tpu.memory_space<vmem>>
    tpu.enqueue_dma source(%dma_start3A_86 : memref<8x128xf32, #tpu.memory_space<vmem>>) target(%dma_start3A_82 : memref<8x128xf32, #tpu.memory_space<hbm>>) target_semaphore(%arg9 : memref<!tpu.dma_semaphore, #tpu.memory_space<semaphore_mem>>)
    %rem3A_87 = arith.constant 1 : i32
    %rem3A_88 = arith.constant 4 : i32
    %rem3A_89 = arith.remsi %rem3A_87, %rem3A_88 : i32
    %div3A_90 = arith.constant 1 : i32
    %div3A_91 = arith.constant 4 : i32
    %div3A_92 = arith.divsi %div3A_90, %div3A_91 : i32
    %mul3A_93 = arith.constant 8 : i32
    %mul3A_94 = arith.muli %div3A_92, %mul3A_93 : i32
    %mul3A_95 = arith.constant 128 : i32
    %mul3A_96 = arith.muli %rem3A_89, %mul3A_95 : i32
    %parallel_loop3A_97 = arith.constant 0 : i32
    %parallel_loop3A_98 = arith.constant 64 : i32
    %parallel_loop3A_99 = arith.constant 1 : i32
    scf.for %parallel_loop3A_339 = %parallel_loop3A_97 to %parallel_loop3A_98 step %parallel_loop3A_99  : i32 {
      %parallel_loop3A_340 = arith.constant 3 : i32
      %parallel_loop3A_341 = arith.shrsi %parallel_loop3A_339, %parallel_loop3A_340 : i32
      %parallel_loop3A_342 = arith.constant 7 : i32
      %parallel_loop3A_343 = arith.andi %parallel_loop3A_339, %parallel_loop3A_342 : i32
      %parallel_loop3A_344 = arith.constant 16 : i32
      %parallel_loop3A_345 = arith.muli %parallel_loop3A_343, %parallel_loop3A_344 : i32
      %parallel_loop3A_346 = arith.addi %mul3A_94, %parallel_loop3A_341 : i32
      %parallel_loop3A_347 = arith.addi %mul3A_96, %parallel_loop3A_345 : i32
      %parallel_loop3A_348 = arith.index_cast %parallel_loop3A_346 : i32 to index
      %parallel_loop3A_349 = arith.index_cast %parallel_loop3A_347 : i32 to index
      %parallel_loop3A_350 = tpu.vector_load %arg6[%parallel_loop3A_348, %parallel_loop3A_349] {strides = array<i32>} : memref<200x512xi32, #tpu.memory_space<vmem>>, vector<16xi32>,
      %parallel_loop3A_351 = arith.constant 0 : i32
      %parallel_loop3A_352 = vector.broadcast %parallel_loop3A_351 : i32 to vector<16xi32>
      %parallel_loop3A_353 = arith.addi %parallel_loop3A_350, %parallel_loop3A_352 : vector<16xi32>
      %parallel_loop3A_354 = tpu.vector_load_idx %arg5[%parallel_loop3A_353] : memref<5000xf32, #tpu.memory_space<vmem>>[vector<16xi32>], vector<16xf32>,
      %parallel_loop3A_355 = arith.constant 0 : i32
      %parallel_loop3A_356 = arith.index_cast %parallel_loop3A_355 : i32 to index
      %parallel_loop3A_357 = arith.index_cast %parallel_loop3A_341 : i32 to index
      %parallel_loop3A_358 = arith.index_cast %parallel_loop3A_345 : i32 to index
      %parallel_loop3A_359 = tpu.vector_load %arg8[%parallel_loop3A_356, %parallel_loop3A_357, %parallel_loop3A_358] {strides = array<i32>} : memref<5x8x128xf32, #tpu.memory_space<vmem>>, vector<16xf32>,
      tpu.vector_store %arg8[%parallel_loop3A_356, %parallel_loop3A_357, %parallel_loop3A_358], %parallel_loop3A_354 {strides = array<i32>} : memref<5x8x128xf32, #tpu.memory_space<vmem>>, vector<16xf32>,
      %parallel_loop3A_360 = arith.constant 1000 : i32
      %parallel_loop3A_361 = vector.broadcast %parallel_loop3A_360 : i32 to vector<16xi32>
      %parallel_loop3A_362 = arith.addi %parallel_loop3A_350, %parallel_loop3A_361 : vector<16xi32>
      %parallel_loop3A_363 = tpu.vector_load_idx %arg5[%parallel_loop3A_362] : memref<5000xf32, #tpu.memory_space<vmem>>[vector<16xi32>], vector<16xf32>,
      %parallel_loop3A_364 = arith.constant 1 : i32
      %parallel_loop3A_365 = arith.index_cast %parallel_loop3A_364 : i32 to index
      %parallel_loop3A_366 = arith.index_cast %parallel_loop3A_341 : i32 to index
      %parallel_loop3A_367 = arith.index_cast %parallel_loop3A_345 : i32 to index
      %parallel_loop3A_368 = tpu.vector_load %arg8[%parallel_loop3A_365, %parallel_loop3A_366, %parallel_loop3A_367] {strides = array<i32>} : memref<5x8x128xf32, #tpu.memory_space<vmem>>, vector<16xf32>,
      tpu.vector_store %arg8[%parallel_loop3A_365, %parallel_loop3A_366, %parallel_loop3A_367], %parallel_loop3A_363 {strides = array<i32>} : memref<5x8x128xf32, #tpu.memory_space<vmem>>, vector<16xf32>,
      %parallel_loop3A_369 = arith.constant 2000 : i32
      %parallel_loop3A_370 = vector.broadcast %parallel_loop3A_369 : i32 to vector<16xi32>
      %parallel_loop3A_371 = arith.addi %parallel_loop3A_350, %parallel_loop3A_370 : vector<16xi32>
      %parallel_loop3A_372 = tpu.vector_load_idx %arg5[%parallel_loop3A_371] : memref<5000xf32, #tpu.memory_space<vmem>>[vector<16xi32>], vector<16xf32>,
      %parallel_loop3A_373 = arith.constant 2 : i32
      %parallel_loop3A_374 = arith.index_cast %parallel_loop3A_373 : i32 to index
      %parallel_loop3A_375 = arith.index_cast %parallel_loop3A_341 : i32 to index
      %parallel_loop3A_376 = arith.index_cast %parallel_loop3A_345 : i32 to index
      %parallel_loop3A_377 = tpu.vector_load %arg8[%parallel_loop3A_374, %parallel_loop3A_375, %parallel_loop3A_376] {strides = array<i32>} : memref<5x8x128xf32, #tpu.memory_space<vmem>>, vector<16xf32>,
      tpu.vector_store %arg8[%parallel_loop3A_374, %parallel_loop3A_375, %parallel_loop3A_376], %parallel_loop3A_372 {strides = array<i32>} : memref<5x8x128xf32, #tpu.memory_space<vmem>>, vector<16xf32>,
      %parallel_loop3A_378 = arith.constant 3000 : i32
      %parallel_loop3A_379 = vector.broadcast %parallel_loop3A_378 : i32 to vector<16xi32>
      %parallel_loop3A_380 = arith.addi %parallel_loop3A_350, %parallel_loop3A_379 : vector<16xi32>
      %parallel_loop3A_381 = tpu.vector_load_idx %arg5[%parallel_loop3A_380] : memref<5000xf32, #tpu.memory_space<vmem>>[vector<16xi32>], vector<16xf32>,
      %parallel_loop3A_382 = arith.constant 3 : i32
      %parallel_loop3A_383 = arith.index_cast %parallel_loop3A_382 : i32 to index
      %parallel_loop3A_384 = arith.index_cast %parallel_loop3A_341 : i32 to index
      %parallel_loop3A_385 = arith.index_cast %parallel_loop3A_345 : i32 to index
      %parallel_loop3A_386 = tpu.vector_load %arg8[%parallel_loop3A_383, %parallel_loop3A_384, %parallel_loop3A_385] {strides = array<i32>} : memref<5x8x128xf32, #tpu.memory_space<vmem>>, vector<16xf32>,
      tpu.vector_store %arg8[%parallel_loop3A_383, %parallel_loop3A_384, %parallel_loop3A_385], %parallel_loop3A_381 {strides = array<i32>} : memref<5x8x128xf32, #tpu.memory_space<vmem>>, vector<16xf32>,
      %parallel_loop3A_387 = arith.constant 4000 : i32
      %parallel_loop3A_388 = vector.broadcast %parallel_loop3A_387 : i32 to vector<16xi32>
      %parallel_loop3A_389 = arith.addi %parallel_loop3A_350, %parallel_loop3A_388 : vector<16xi32>
      %parallel_loop3A_390 = tpu.vector_load_idx %arg5[%parallel_loop3A_389] : memref<5000xf32, #tpu.memory_space<vmem>>[vector<16xi32>], vector<16xf32>,
      %parallel_loop3A_391 = arith.constant 4 : i32
      %parallel_loop3A_392 = arith.index_cast %parallel_loop3A_391 : i32 to index
      %parallel_loop3A_393 = arith.index_cast %parallel_loop3A_341 : i32 to index
      %parallel_loop3A_394 = arith.index_cast %parallel_loop3A_345 : i32 to index
      %parallel_loop3A_395 = tpu.vector_load %arg8[%parallel_loop3A_392, %parallel_loop3A_393, %parallel_loop3A_394] {strides = array<i32>} : memref<5x8x128xf32, #tpu.memory_space<vmem>>, vector<16xf32>,
      tpu.vector_store %arg8[%parallel_loop3A_392, %parallel_loop3A_393, %parallel_loop3A_394], %parallel_loop3A_390 {strides = array<i32>} : memref<5x8x128xf32, #tpu.memory_space<vmem>>, vector<16xf32>,
    } {sc.loop_unroll_factor = 8 : i64, sc.parallel_access}
    %add3A_100 = arith.addi %mul3A_2, %mul3A_96 : i32
    %dma_start3A_101 = arith.constant 0 : i32
    %dma_start3A_102 = arith.constant 0 : i32
    %dma_start3A_103 = arith.constant 0 : i32
    %dma_start3A_104 = arith.constant 0 : i32
    %dma_start3A_105 = tpu.memref_slice %arg8[%dma_start3A_101, %dma_start3A_103, %dma_start3A_104] : memref<5x8x128xf32, #tpu.memory_space<vmem>> -> memref<1x8x128xf32, #tpu.memory_space<vmem>>
    %dma_start3A_106 = tpu.memref_squeeze %dma_start3A_105 : memref<1x8x128xf32, #tpu.memory_space<vmem>> -> memref<8x128xf32, #tpu.memory_space<vmem>>
    %dma_start3A_107 = tpu.memref_slice %arg4[%dma_start3A_102, %mul3A_94, %add3A_100] : memref<5x200x16384xf32, #tpu.memory_space<hbm>> -> memref<1x8x128xf32, #tpu.memory_space<hbm>>
    %dma_start3A_108 = tpu.memref_squeeze %dma_start3A_107 : memref<1x8x128xf32, #tpu.memory_space<hbm>> -> memref<8x128xf32, #tpu.memory_space<hbm>>
    %dma_start3A_109 = tpu.memref_slice %arg4[%dma_start3A_102, %mul3A_94, %add3A_100] : memref<5x200x16384xf32, #tpu.memory_space<hbm>> -> memref<1x8x128xf32, #tpu.memory_space<hbm>>
    %dma_start3A_110 = tpu.memref_squeeze %dma_start3A_109 : memref<1x8x128xf32, #tpu.memory_space<hbm>> -> memref<8x128xf32, #tpu.memory_space<hbm>>
    %dma_start3A_111 = arith.constant 0 : i32
    %dma_start3A_112 = arith.constant 0 : i32
    %dma_start3A_113 = tpu.memref_slice %arg8[%dma_start3A_101, %dma_start3A_111, %dma_start3A_112] : memref<5x8x128xf32, #tpu.memory_space<vmem>> -> memref<1x8x128xf32, #tpu.memory_space<vmem>>
    %dma_start3A_114 = tpu.memref_squeeze %dma_start3A_113 : memref<1x8x128xf32, #tpu.memory_space<vmem>> -> memref<8x128xf32, #tpu.memory_space<vmem>>
    tpu.enqueue_dma source(%dma_start3A_114 : memref<8x128xf32, #tpu.memory_space<vmem>>) target(%dma_start3A_110 : memref<8x128xf32, #tpu.memory_space<hbm>>) target_semaphore(%arg10 : memref<!tpu.dma_semaphore, #tpu.memory_space<semaphore_mem>>)
    %add3A_115 = arith.addi %mul3A_2, %mul3A_96 : i32
    %dma_start3A_116 = arith.constant 1 : i32
    %dma_start3A_117 = arith.constant 1 : i32
    %dma_start3A_118 = arith.constant 0 : i32
    %dma_start3A_119 = arith.constant 0 : i32
    %dma_start3A_120 = tpu.memref_slice %arg8[%dma_start3A_116, %dma_start3A_118, %dma_start3A_119] : memref<5x8x128xf32, #tpu.memory_space<vmem>> -> memref<1x8x128xf32, #tpu.memory_space<vmem>>
    %dma_start3A_121 = tpu.memref_squeeze %dma_start3A_120 : memref<1x8x128xf32, #tpu.memory_space<vmem>> -> memref<8x128xf32, #tpu.memory_space<vmem>>
    %dma_start3A_122 = tpu.memref_slice %arg4[%dma_start3A_117, %mul3A_94, %add3A_115] : memref<5x200x16384xf32, #tpu.memory_space<hbm>> -> memref<1x8x128xf32, #tpu.memory_space<hbm>>
    %dma_start3A_123 = tpu.memref_squeeze %dma_start3A_122 : memref<1x8x128xf32, #tpu.memory_space<hbm>> -> memref<8x128xf32, #tpu.memory_space<hbm>>
    %dma_start3A_124 = tpu.memref_slice %arg4[%dma_start3A_117, %mul3A_94, %add3A_115] : memref<5x200x16384xf32, #tpu.memory_space<hbm>> -> memref<1x8x128xf32, #tpu.memory_space<hbm>>
    %dma_start3A_125 = tpu.memref_squeeze %dma_start3A_124 : memref<1x8x128xf32, #tpu.memory_space<hbm>> -> memref<8x128xf32, #tpu.memory_space<hbm>>
    %dma_start3A_126 = arith.constant 0 : i32
    %dma_start3A_127 = arith.constant 0 : i32
    %dma_start3A_128 = tpu.memref_slice %arg8[%dma_start3A_116, %dma_start3A_126, %dma_start3A_127] : memref<5x8x128xf32, #tpu.memory_space<vmem>> -> memref<1x8x128xf32, #tpu.memory_space<vmem>>
    %dma_start3A_129 = tpu.memref_squeeze %dma_start3A_128 : memref<1x8x128xf32, #tpu.memory_space<vmem>> -> memref<8x128xf32, #tpu.memory_space<vmem>>
    tpu.enqueue_dma source(%dma_start3A_129 : memref<8x128xf32, #tpu.memory_space<vmem>>) target(%dma_start3A_125 : memref<8x128xf32, #tpu.memory_space<hbm>>) target_semaphore(%arg10 : memref<!tpu.dma_semaphore, #tpu.memory_space<semaphore_mem>>)
    %add3A_130 = arith.addi %mul3A_2, %mul3A_96 : i32
    %dma_start3A_131 = arith.constant 2 : i32
    %dma_start3A_132 = arith.constant 2 : i32
    %dma_start3A_133 = arith.constant 0 : i32
    %dma_start3A_134 = arith.constant 0 : i32
    %dma_start3A_135 = tpu.memref_slice %arg8[%dma_start3A_131, %dma_start3A_133, %dma_start3A_134] : memref<5x8x128xf32, #tpu.memory_space<vmem>> -> memref<1x8x128xf32, #tpu.memory_space<vmem>>
    %dma_start3A_136 = tpu.memref_squeeze %dma_start3A_135 : memref<1x8x128xf32, #tpu.memory_space<vmem>> -> memref<8x128xf32, #tpu.memory_space<vmem>>
    %dma_start3A_137 = tpu.memref_slice %arg4[%dma_start3A_132, %mul3A_94, %add3A_130] : memref<5x200x16384xf32, #tpu.memory_space<hbm>> -> memref<1x8x128xf32, #tpu.memory_space<hbm>>
    %dma_start3A_138 = tpu.memref_squeeze %dma_start3A_137 : memref<1x8x128xf32, #tpu.memory_space<hbm>> -> memref<8x128xf32, #tpu.memory_space<hbm>>
    %dma_start3A_139 = tpu.memref_slice %arg4[%dma_start3A_132, %mul3A_94, %add3A_130] : memref<5x200x16384xf32, #tpu.memory_space<hbm>> -> memref<1x8x128xf32, #tpu.memory_space<hbm>>
    %dma_start3A_140 = tpu.memref_squeeze %dma_start3A_139 : memref<1x8x128xf32, #tpu.memory_space<hbm>> -> memref<8x128xf32, #tpu.memory_space<hbm>>
    %dma_start3A_141 = arith.constant 0 : i32
    %dma_start3A_142 = arith.constant 0 : i32
    %dma_start3A_143 = tpu.memref_slice %arg8[%dma_start3A_131, %dma_start3A_141, %dma_start3A_142] : memref<5x8x128xf32, #tpu.memory_space<vmem>> -> memref<1x8x128xf32, #tpu.memory_space<vmem>>
    %dma_start3A_144 = tpu.memref_squeeze %dma_start3A_143 : memref<1x8x128xf32, #tpu.memory_space<vmem>> -> memref<8x128xf32, #tpu.memory_space<vmem>>
    tpu.enqueue_dma source(%dma_start3A_144 : memref<8x128xf32, #tpu.memory_space<vmem>>) target(%dma_start3A_140 : memref<8x128xf32, #tpu.memory_space<hbm>>) target_semaphore(%arg10 : memref<!tpu.dma_semaphore, #tpu.memory_space<semaphore_mem>>)
    %add3A_145 = arith.addi %mul3A_2, %mul3A_96 : i32
    %dma_start3A_146 = arith.constant 3 : i32
    %dma_start3A_147 = arith.constant 3 : i32
    %dma_start3A_148 = arith.constant 0 : i32
    %dma_start3A_149 = arith.constant 0 : i32
    %dma_start3A_150 = tpu.memref_slice %arg8[%dma_start3A_146, %dma_start3A_148, %dma_start3A_149] : memref<5x8x128xf32, #tpu.memory_space<vmem>> -> memref<1x8x128xf32, #tpu.memory_space<vmem>>
    %dma_start3A_151 = tpu.memref_squeeze %dma_start3A_150 : memref<1x8x128xf32, #tpu.memory_space<vmem>> -> memref<8x128xf32, #tpu.memory_space<vmem>>
    %dma_start3A_152 = tpu.memref_slice %arg4[%dma_start3A_147, %mul3A_94, %add3A_145] : memref<5x200x16384xf32, #tpu.memory_space<hbm>> -> memref<1x8x128xf32, #tpu.memory_space<hbm>>
    %dma_start3A_153 = tpu.memref_squeeze %dma_start3A_152 : memref<1x8x128xf32, #tpu.memory_space<hbm>> -> memref<8x128xf32, #tpu.memory_space<hbm>>
    %dma_start3A_154 = tpu.memref_slice %arg4[%dma_start3A_147, %mul3A_94, %add3A_145] : memref<5x200x16384xf32, #tpu.memory_space<hbm>> -> memref<1x8x128xf32, #tpu.memory_space<hbm>>
    %dma_start3A_155 = tpu.memref_squeeze %dma_start3A_154 : memref<1x8x128xf32, #tpu.memory_space<hbm>> -> memref<8x128xf32, #tpu.memory_space<hbm>>
    %dma_start3A_156 = arith.constant 0 : i32
    %dma_start3A_157 = arith.constant 0 : i32
    %dma_start3A_158 = tpu.memref_slice %arg8[%dma_start3A_146, %dma_start3A_156, %dma_start3A_157] : memref<5x8x128xf32, #tpu.memory_space<vmem>> -> memref<1x8x128xf32, #tpu.memory_space<vmem>>
    %dma_start3A_159 = tpu.memref_squeeze %dma_start3A_158 : memref<1x8x128xf32, #tpu.memory_space<vmem>> -> memref<8x128xf32, #tpu.memory_space<vmem>>
    tpu.enqueue_dma source(%dma_start3A_159 : memref<8x128xf32, #tpu.memory_space<vmem>>) target(%dma_start3A_155 : memref<8x128xf32, #tpu.memory_space<hbm>>) target_semaphore(%arg10 : memref<!tpu.dma_semaphore, #tpu.memory_space<semaphore_mem>>)
    %add3A_160 = arith.addi %mul3A_2, %mul3A_96 : i32
    %dma_start3A_161 = arith.constant 4 : i32
    %dma_start3A_162 = arith.constant 4 : i32
    %dma_start3A_163 = arith.constant 0 : i32
    %dma_start3A_164 = arith.constant 0 : i32
    %dma_start3A_165 = tpu.memref_slice %arg8[%dma_start3A_161, %dma_start3A_163, %dma_start3A_164] : memref<5x8x128xf32, #tpu.memory_space<vmem>> -> memref<1x8x128xf32, #tpu.memory_space<vmem>>
    %dma_start3A_166 = tpu.memref_squeeze %dma_start3A_165 : memref<1x8x128xf32, #tpu.memory_space<vmem>> -> memref<8x128xf32, #tpu.memory_space<vmem>>
    %dma_start3A_167 = tpu.memref_slice %arg4[%dma_start3A_162, %mul3A_94, %add3A_160] : memref<5x200x16384xf32, #tpu.memory_space<hbm>> -> memref<1x8x128xf32, #tpu.memory_space<hbm>>
    %dma_start3A_168 = tpu.memref_squeeze %dma_start3A_167 : memref<1x8x128xf32, #tpu.memory_space<hbm>> -> memref<8x128xf32, #tpu.memory_space<hbm>>
    %dma_start3A_169 = tpu.memref_slice %arg4[%dma_start3A_162, %mul3A_94, %add3A_160] : memref<5x200x16384xf32, #tpu.memory_space<hbm>> -> memref<1x8x128xf32, #tpu.memory_space<hbm>>
    %dma_start3A_170 = tpu.memref_squeeze %dma_start3A_169 : memref<1x8x128xf32, #tpu.memory_space<hbm>> -> memref<8x128xf32, #tpu.memory_space<hbm>>
    %dma_start3A_171 = arith.constant 0 : i32
    %dma_start3A_172 = arith.constant 0 : i32
    %dma_start3A_173 = tpu.memref_slice %arg8[%dma_start3A_161, %dma_start3A_171, %dma_start3A_172] : memref<5x8x128xf32, #tpu.memory_space<vmem>> -> memref<1x8x128xf32, #tpu.memory_space<vmem>>
    %dma_start3A_174 = tpu.memref_squeeze %dma_start3A_173 : memref<1x8x128xf32, #tpu.memory_space<vmem>> -> memref<8x128xf32, #tpu.memory_space<vmem>>
    tpu.enqueue_dma source(%dma_start3A_174 : memref<8x128xf32, #tpu.memory_space<vmem>>) target(%dma_start3A_170 : memref<8x128xf32, #tpu.memory_space<hbm>>) target_semaphore(%arg10 : memref<!tpu.dma_semaphore, #tpu.memory_space<semaphore_mem>>)
    %scan3A = arith.constant 0 : i32
    %scan3A_175 = arith.constant 0 : i32
    %scan3A_176 = arith.constant 49 : i32
    %scan3A_177 = arith.addi %scan3A_175, %scan3A_176 : i32
    %scan3A_178 = arith.constant 1 : i32
    scf.for %scan3A_339 = %scan3A_175 to %scan3A_177 step %scan3A_178  : i32 {
      %mul3A_340 = arith.constant 2 : i32
      %mul3A_341 = arith.muli %mul3A_340, %scan3A_339 : i32
      %add3A_342 = arith.constant 2 : i32
      %add3A_343 = arith.addi %mul3A_341, %add3A_342 : i32
      %dma_wait3A_344 = arith.constant 0 : i32
      %dma_wait3A_345 = arith.constant 0 : i32
      %dma_wait3A_346 = arith.constant 0 : i32
      %dma_wait3A_347 = arith.constant 0 : i32
      %dma_wait3A_348 = tpu.memref_slice %arg7[%dma_wait3A_344, %dma_wait3A_346, %dma_wait3A_347] : memref<5x8x128xf32, #tpu.memory_space<vmem>> -> memref<1x8x128xf32, #tpu.memory_space<vmem>>
      %dma_wait3A_349 = tpu.memref_squeeze %dma_wait3A_348 : memref<1x8x128xf32, #tpu.memory_space<vmem>> -> memref<8x128xf32, #tpu.memory_space<vmem>>
      %dma_wait3A_350 = arith.constant 0 : i32
      %dma_wait3A_351 = tpu.memref_slice %arg4[%dma_wait3A_345, %dma_wait3A_350, %mul3A_2] : memref<5x200x16384xf32, #tpu.memory_space<hbm>> -> memref<1x8x128xf32, #tpu.memory_space<hbm>>
      %dma_wait3A_352 = tpu.memref_squeeze %dma_wait3A_351 : memref<1x8x128xf32, #tpu.memory_space<hbm>> -> memref<8x128xf32, #tpu.memory_space<hbm>>
      %dma_wait3A_353 = arith.constant 0 : i32
      %dma_wait3A_354 = tpu.memref_slice %arg4[%dma_wait3A_345, %dma_wait3A_353, %mul3A_2] : memref<5x200x16384xf32, #tpu.memory_space<hbm>> -> memref<1x8x128xf32, #tpu.memory_space<hbm>>
      %dma_wait3A_355 = tpu.memref_squeeze %dma_wait3A_354 : memref<1x8x128xf32, #tpu.memory_space<hbm>> -> memref<8x128xf32, #tpu.memory_space<hbm>>
      %dma_wait3A_356 = arith.constant 0 : i32
      %dma_wait3A_357 = arith.constant 0 : i32
      %dma_wait3A_358 = tpu.memref_slice %arg7[%dma_wait3A_344, %dma_wait3A_356, %dma_wait3A_357] : memref<5x8x128xf32, #tpu.memory_space<vmem>> -> memref<1x8x128xf32, #tpu.memory_space<vmem>>
      %dma_wait3A_359 = tpu.memref_squeeze %dma_wait3A_358 : memref<1x8x128xf32, #tpu.memory_space<vmem>> -> memref<8x128xf32, #tpu.memory_space<vmem>>
      tpu.wait_dma2 semaphore(%arg9 : memref<!tpu.dma_semaphore, #tpu.memory_space<semaphore_mem>>) src(%dma_wait3A_359 : memref<8x128xf32, #tpu.memory_space<vmem>>) dst(%dma_wait3A_355 : memref<8x128xf32, #tpu.memory_space<hbm>>)
      %dma_wait3A_360 = arith.constant 1 : i32
      %dma_wait3A_361 = arith.constant 1 : i32
      %dma_wait3A_362 = arith.constant 0 : i32
      %dma_wait3A_363 = arith.constant 0 : i32
      %dma_wait3A_364 = tpu.memref_slice %arg7[%dma_wait3A_360, %dma_wait3A_362, %dma_wait3A_363] : memref<5x8x128xf32, #tpu.memory_space<vmem>> -> memref<1x8x128xf32, #tpu.memory_space<vmem>>
      %dma_wait3A_365 = tpu.memref_squeeze %dma_wait3A_364 : memref<1x8x128xf32, #tpu.memory_space<vmem>> -> memref<8x128xf32, #tpu.memory_space<vmem>>
      %dma_wait3A_366 = arith.constant 0 : i32
      %dma_wait3A_367 = tpu.memref_slice %arg4[%dma_wait3A_361, %dma_wait3A_366, %mul3A_2] : memref<5x200x16384xf32, #tpu.memory_space<hbm>> -> memref<1x8x128xf32, #tpu.memory_space<hbm>>
      %dma_wait3A_368 = tpu.memref_squeeze %dma_wait3A_367 : memref<1x8x128xf32, #tpu.memory_space<hbm>> -> memref<8x128xf32, #tpu.memory_space<hbm>>
      %dma_wait3A_369 = arith.constant 0 : i32
      %dma_wait3A_370 = tpu.memref_slice %arg4[%dma_wait3A_361, %dma_wait3A_369, %mul3A_2] : memref<5x200x16384xf32, #tpu.memory_space<hbm>> -> memref<1x8x128xf32, #tpu.memory_space<hbm>>
      %dma_wait3A_371 = tpu.memref_squeeze %dma_wait3A_370 : memref<1x8x128xf32, #tpu.memory_space<hbm>> -> memref<8x128xf32, #tpu.memory_space<hbm>>
      %dma_wait3A_372 = arith.constant 0 : i32
      %dma_wait3A_373 = arith.constant 0 : i32
      %dma_wait3A_374 = tpu.memref_slice %arg7[%dma_wait3A_360, %dma_wait3A_372, %dma_wait3A_373] : memref<5x8x128xf32, #tpu.memory_space<vmem>> -> memref<1x8x128xf32, #tpu.memory_space<vmem>>
      %dma_wait3A_375 = tpu.memref_squeeze %dma_wait3A_374 : memref<1x8x128xf32, #tpu.memory_space<vmem>> -> memref<8x128xf32, #tpu.memory_space<vmem>>
      tpu.wait_dma2 semaphore(%arg9 : memref<!tpu.dma_semaphore, #tpu.memory_space<semaphore_mem>>) src(%dma_wait3A_375 : memref<8x128xf32, #tpu.memory_space<vmem>>) dst(%dma_wait3A_371 : memref<8x128xf32, #tpu.memory_space<hbm>>)
      %dma_wait3A_376 = arith.constant 2 : i32
      %dma_wait3A_377 = arith.constant 2 : i32
      %dma_wait3A_378 = arith.constant 0 : i32
      %dma_wait3A_379 = arith.constant 0 : i32
      %dma_wait3A_380 = tpu.memref_slice %arg7[%dma_wait3A_376, %dma_wait3A_378, %dma_wait3A_379] : memref<5x8x128xf32, #tpu.memory_space<vmem>> -> memref<1x8x128xf32, #tpu.memory_space<vmem>>
      %dma_wait3A_381 = tpu.memref_squeeze %dma_wait3A_380 : memref<1x8x128xf32, #tpu.memory_space<vmem>> -> memref<8x128xf32, #tpu.memory_space<vmem>>
      %dma_wait3A_382 = arith.constant 0 : i32
      %dma_wait3A_383 = tpu.memref_slice %arg4[%dma_wait3A_377, %dma_wait3A_382, %mul3A_2] : memref<5x200x16384xf32, #tpu.memory_space<hbm>> -> memref<1x8x128xf32, #tpu.memory_space<hbm>>
      %dma_wait3A_384 = tpu.memref_squeeze %dma_wait3A_383 : memref<1x8x128xf32, #tpu.memory_space<hbm>> -> memref<8x128xf32, #tpu.memory_space<hbm>>
      %dma_wait3A_385 = arith.constant 0 : i32
      %dma_wait3A_386 = tpu.memref_slice %arg4[%dma_wait3A_377, %dma_wait3A_385, %mul3A_2] : memref<5x200x16384xf32, #tpu.memory_space<hbm>> -> memref<1x8x128xf32, #tpu.memory_space<hbm>>
      %dma_wait3A_387 = tpu.memref_squeeze %dma_wait3A_386 : memref<1x8x128xf32, #tpu.memory_space<hbm>> -> memref<8x128xf32, #tpu.memory_space<hbm>>
      %dma_wait3A_388 = arith.constant 0 : i32
      %dma_wait3A_389 = arith.constant 0 : i32
      %dma_wait3A_390 = tpu.memref_slice %arg7[%dma_wait3A_376, %dma_wait3A_388, %dma_wait3A_389] : memref<5x8x128xf32, #tpu.memory_space<vmem>> -> memref<1x8x128xf32, #tpu.memory_space<vmem>>
      %dma_wait3A_391 = tpu.memref_squeeze %dma_wait3A_390 : memref<1x8x128xf32, #tpu.memory_space<vmem>> -> memref<8x128xf32, #tpu.memory_space<vmem>>
      tpu.wait_dma2 semaphore(%arg9 : memref<!tpu.dma_semaphore, #tpu.memory_space<semaphore_mem>>) src(%dma_wait3A_391 : memref<8x128xf32, #tpu.memory_space<vmem>>) dst(%dma_wait3A_387 : memref<8x128xf32, #tpu.memory_space<hbm>>)
      %dma_wait3A_392 = arith.constant 3 : i32
      %dma_wait3A_393 = arith.constant 3 : i32
      %dma_wait3A_394 = arith.constant 0 : i32
      %dma_wait3A_395 = arith.constant 0 : i32
      %dma_wait3A_396 = tpu.memref_slice %arg7[%dma_wait3A_392, %dma_wait3A_394, %dma_wait3A_395] : memref<5x8x128xf32, #tpu.memory_space<vmem>> -> memref<1x8x128xf32, #tpu.memory_space<vmem>>
      %dma_wait3A_397 = tpu.memref_squeeze %dma_wait3A_396 : memref<1x8x128xf32, #tpu.memory_space<vmem>> -> memref<8x128xf32, #tpu.memory_space<vmem>>
      %dma_wait3A_398 = arith.constant 0 : i32
      %dma_wait3A_399 = tpu.memref_slice %arg4[%dma_wait3A_393, %dma_wait3A_398, %mul3A_2] : memref<5x200x16384xf32, #tpu.memory_space<hbm>> -> memref<1x8x128xf32, #tpu.memory_space<hbm>>
      %dma_wait3A_400 = tpu.memref_squeeze %dma_wait3A_399 : memref<1x8x128xf32, #tpu.memory_space<hbm>> -> memref<8x128xf32, #tpu.memory_space<hbm>>
      %dma_wait3A_401 = arith.constant 0 : i32
      %dma_wait3A_402 = tpu.memref_slice %arg4[%dma_wait3A_393, %dma_wait3A_401, %mul3A_2] : memref<5x200x16384xf32, #tpu.memory_space<hbm>> -> memref<1x8x128xf32, #tpu.memory_space<hbm>>
      %dma_wait3A_403 = tpu.memref_squeeze %dma_wait3A_402 : memref<1x8x128xf32, #tpu.memory_space<hbm>> -> memref<8x128xf32, #tpu.memory_space<hbm>>
      %dma_wait3A_404 = arith.constant 0 : i32
      %dma_wait3A_405 = arith.constant 0 : i32
      %dma_wait3A_406 = tpu.memref_slice %arg7[%dma_wait3A_392, %dma_wait3A_404, %dma_wait3A_405] : memref<5x8x128xf32, #tpu.memory_space<vmem>> -> memref<1x8x128xf32, #tpu.memory_space<vmem>>
      %dma_wait3A_407 = tpu.memref_squeeze %dma_wait3A_406 : memref<1x8x128xf32, #tpu.memory_space<vmem>> -> memref<8x128xf32, #tpu.memory_space<vmem>>
      tpu.wait_dma2 semaphore(%arg9 : memref<!tpu.dma_semaphore, #tpu.memory_space<semaphore_mem>>) src(%dma_wait3A_407 : memref<8x128xf32, #tpu.memory_space<vmem>>) dst(%dma_wait3A_403 : memref<8x128xf32, #tpu.memory_space<hbm>>)
      %dma_wait3A_408 = arith.constant 4 : i32
      %dma_wait3A_409 = arith.constant 4 : i32
      %dma_wait3A_410 = arith.constant 0 : i32
      %dma_wait3A_411 = arith.constant 0 : i32
      %dma_wait3A_412 = tpu.memref_slice %arg7[%dma_wait3A_408, %dma_wait3A_410, %dma_wait3A_411] : memref<5x8x128xf32, #tpu.memory_space<vmem>> -> memref<1x8x128xf32, #tpu.memory_space<vmem>>
      %dma_wait3A_413 = tpu.memref_squeeze %dma_wait3A_412 : memref<1x8x128xf32, #tpu.memory_space<vmem>> -> memref<8x128xf32, #tpu.memory_space<vmem>>
      %dma_wait3A_414 = arith.constant 0 : i32
      %dma_wait3A_415 = tpu.memref_slice %arg4[%dma_wait3A_409, %dma_wait3A_414, %mul3A_2] : memref<5x200x16384xf32, #tpu.memory_space<hbm>> -> memref<1x8x128xf32, #tpu.memory_space<hbm>>
      %dma_wait3A_416 = tpu.memref_squeeze %dma_wait3A_415 : memref<1x8x128xf32, #tpu.memory_space<hbm>> -> memref<8x128xf32, #tpu.memory_space<hbm>>
      %dma_wait3A_417 = arith.constant 0 : i32
      %dma_wait3A_418 = tpu.memref_slice %arg4[%dma_wait3A_409, %dma_wait3A_417, %mul3A_2] : memref<5x200x16384xf32, #tpu.memory_space<hbm>> -> memref<1x8x128xf32, #tpu.memory_space<hbm>>
      %dma_wait3A_419 = tpu.memref_squeeze %dma_wait3A_418 : memref<1x8x128xf32, #tpu.memory_space<hbm>> -> memref<8x128xf32, #tpu.memory_space<hbm>>
      %dma_wait3A_420 = arith.constant 0 : i32
      %dma_wait3A_421 = arith.constant 0 : i32
      %dma_wait3A_422 = tpu.memref_slice %arg7[%dma_wait3A_408, %dma_wait3A_420, %dma_wait3A_421] : memref<5x8x128xf32, #tpu.memory_space<vmem>> -> memref<1x8x128xf32, #tpu.memory_space<vmem>>
      %dma_wait3A_423 = tpu.memref_squeeze %dma_wait3A_422 : memref<1x8x128xf32, #tpu.memory_space<vmem>> -> memref<8x128xf32, #tpu.memory_space<vmem>>
      tpu.wait_dma2 semaphore(%arg9 : memref<!tpu.dma_semaphore, #tpu.memory_space<semaphore_mem>>) src(%dma_wait3A_423 : memref<8x128xf32, #tpu.memory_space<vmem>>) dst(%dma_wait3A_419 : memref<8x128xf32, #tpu.memory_space<hbm>>)
      %rem3A_424 = arith.constant 4 : i32
      %rem3A_425 = arith.remsi %add3A_343, %rem3A_424 : i32
      %div3A_426 = arith.constant 4 : i32
      %div3A_427 = arith.divsi %add3A_343, %div3A_426 : i32
      %mul3A_428 = arith.constant 8 : i32
      %mul3A_429 = arith.muli %div3A_427, %mul3A_428 : i32
      %mul3A_430 = arith.constant 128 : i32
      %mul3A_431 = arith.muli %rem3A_425, %mul3A_430 : i32
      %parallel_loop3A_432 = arith.constant 0 : i32
      %parallel_loop3A_433 = arith.constant 64 : i32
      %parallel_loop3A_434 = arith.constant 1 : i32
      scf.for %parallel_loop3A_678 = %parallel_loop3A_432 to %parallel_loop3A_433 step %parallel_loop3A_434  : i32 {
        %parallel_loop3A_679 = arith.constant 3 : i32
        %parallel_loop3A_680 = arith.shrsi %parallel_loop3A_678, %parallel_loop3A_679 : i32
        %parallel_loop3A_681 = arith.constant 7 : i32
        %parallel_loop3A_682 = arith.andi %parallel_loop3A_678, %parallel_loop3A_681 : i32
        %parallel_loop3A_683 = arith.constant 16 : i32
        %parallel_loop3A_684 = arith.muli %parallel_loop3A_682, %parallel_loop3A_683 : i32
        %parallel_loop3A_685 = arith.addi %mul3A_429, %parallel_loop3A_680 : i32
        %parallel_loop3A_686 = arith.addi %mul3A_431, %parallel_loop3A_684 : i32
        %parallel_loop3A_687 = arith.index_cast %parallel_loop3A_685 : i32 to index
        %parallel_loop3A_688 = arith.index_cast %parallel_loop3A_686 : i32 to index
        %parallel_loop3A_689 = tpu.vector_load %arg6[%parallel_loop3A_687, %parallel_loop3A_688] {strides = array<i32>} : memref<200x512xi32, #tpu.memory_space<vmem>>, vector<16xi32>,
        %parallel_loop3A_690 = arith.constant 0 : i32
        %parallel_loop3A_691 = vector.broadcast %parallel_loop3A_690 : i32 to vector<16xi32>
        %parallel_loop3A_692 = arith.addi %parallel_loop3A_689, %parallel_loop3A_691 : vector<16xi32>
        %parallel_loop3A_693 = tpu.vector_load_idx %arg5[%parallel_loop3A_692] : memref<5000xf32, #tpu.memory_space<vmem>>[vector<16xi32>], vector<16xf32>,
        %parallel_loop3A_694 = arith.constant 0 : i32
        %parallel_loop3A_695 = arith.index_cast %parallel_loop3A_694 : i32 to index
        %parallel_loop3A_696 = arith.index_cast %parallel_loop3A_680 : i32 to index
        %parallel_loop3A_697 = arith.index_cast %parallel_loop3A_684 : i32 to index
        %parallel_loop3A_698 = tpu.vector_load %arg7[%parallel_loop3A_695, %parallel_loop3A_696, %parallel_loop3A_697] {strides = array<i32>} : memref<5x8x128xf32, #tpu.memory_space<vmem>>, vector<16xf32>,
        tpu.vector_store %arg7[%parallel_loop3A_695, %parallel_loop3A_696, %parallel_loop3A_697], %parallel_loop3A_693 {strides = array<i32>} : memref<5x8x128xf32, #tpu.memory_space<vmem>>, vector<16xf32>,
        %parallel_loop3A_699 = arith.constant 1000 : i32
        %parallel_loop3A_700 = vector.broadcast %parallel_loop3A_699 : i32 to vector<16xi32>
        %parallel_loop3A_701 = arith.addi %parallel_loop3A_689, %parallel_loop3A_700 : vector<16xi32>
        %parallel_loop3A_702 = tpu.vector_load_idx %arg5[%parallel_loop3A_701] : memref<5000xf32, #tpu.memory_space<vmem>>[vector<16xi32>], vector<16xf32>,
        %parallel_loop3A_703 = arith.constant 1 : i32
        %parallel_loop3A_704 = arith.index_cast %parallel_loop3A_703 : i32 to index
        %parallel_loop3A_705 = arith.index_cast %parallel_loop3A_680 : i32 to index
        %parallel_loop3A_706 = arith.index_cast %parallel_loop3A_684 : i32 to index
        %parallel_loop3A_707 = tpu.vector_load %arg7[%parallel_loop3A_704, %parallel_loop3A_705, %parallel_loop3A_706] {strides = array<i32>} : memref<5x8x128xf32, #tpu.memory_space<vmem>>, vector<16xf32>,
        tpu.vector_store %arg7[%parallel_loop3A_704, %parallel_loop3A_705, %parallel_loop3A_706], %parallel_loop3A_702 {strides = array<i32>} : memref<5x8x128xf32, #tpu.memory_space<vmem>>, vector<16xf32>,
        %parallel_loop3A_708 = arith.constant 2000 : i32
        %parallel_loop3A_709 = vector.broadcast %parallel_loop3A_708 : i32 to vector<16xi32>
        %parallel_loop3A_710 = arith.addi %parallel_loop3A_689, %parallel_loop3A_709 : vector<16xi32>
        %parallel_loop3A_711 = tpu.vector_load_idx %arg5[%parallel_loop3A_710] : memref<5000xf32, #tpu.memory_space<vmem>>[vector<16xi32>], vector<16xf32>,
        %parallel_loop3A_712 = arith.constant 2 : i32
        %parallel_loop3A_713 = arith.index_cast %parallel_loop3A_712 : i32 to index
        %parallel_loop3A_714 = arith.index_cast %parallel_loop3A_680 : i32 to index
        %parallel_loop3A_715 = arith.index_cast %parallel_loop3A_684 : i32 to index
        %parallel_loop3A_716 = tpu.vector_load %arg7[%parallel_loop3A_713, %parallel_loop3A_714, %parallel_loop3A_715] {strides = array<i32>} : memref<5x8x128xf32, #tpu.memory_space<vmem>>, vector<16xf32>,
        tpu.vector_store %arg7[%parallel_loop3A_713, %parallel_loop3A_714, %parallel_loop3A_715], %parallel_loop3A_711 {strides = array<i32>} : memref<5x8x128xf32, #tpu.memory_space<vmem>>, vector<16xf32>,
        %parallel_loop3A_717 = arith.constant 3000 : i32
        %parallel_loop3A_718 = vector.broadcast %parallel_loop3A_717 : i32 to vector<16xi32>
        %parallel_loop3A_719 = arith.addi %parallel_loop3A_689, %parallel_loop3A_718 : vector<16xi32>
        %parallel_loop3A_720 = tpu.vector_load_idx %arg5[%parallel_loop3A_719] : memref<5000xf32, #tpu.memory_space<vmem>>[vector<16xi32>], vector<16xf32>,
        %parallel_loop3A_721 = arith.constant 3 : i32
        %parallel_loop3A_722 = arith.index_cast %parallel_loop3A_721 : i32 to index
        %parallel_loop3A_723 = arith.index_cast %parallel_loop3A_680 : i32 to index
        %parallel_loop3A_724 = arith.index_cast %parallel_loop3A_684 : i32 to index
        %parallel_loop3A_725 = tpu.vector_load %arg7[%parallel_loop3A_722, %parallel_loop3A_723, %parallel_loop3A_724] {strides = array<i32>} : memref<5x8x128xf32, #tpu.memory_space<vmem>>, vector<16xf32>,
        tpu.vector_store %arg7[%parallel_loop3A_722, %parallel_loop3A_723, %parallel_loop3A_724], %parallel_loop3A_720 {strides = array<i32>} : memref<5x8x128xf32, #tpu.memory_space<vmem>>, vector<16xf32>,
        %parallel_loop3A_726 = arith.constant 4000 : i32
        %parallel_loop3A_727 = vector.broadcast %parallel_loop3A_726 : i32 to vector<16xi32>
        %parallel_loop3A_728 = arith.addi %parallel_loop3A_689, %parallel_loop3A_727 : vector<16xi32>
        %parallel_loop3A_729 = tpu.vector_load_idx %arg5[%parallel_loop3A_728] : memref<5000xf32, #tpu.memory_space<vmem>>[vector<16xi32>], vector<16xf32>,
        %parallel_loop3A_730 = arith.constant 4 : i32
        %parallel_loop3A_731 = arith.index_cast %parallel_loop3A_730 : i32 to index
        %parallel_loop3A_732 = arith.index_cast %parallel_loop3A_680 : i32 to index
        %parallel_loop3A_733 = arith.index_cast %parallel_loop3A_684 : i32 to index
        %parallel_loop3A_734 = tpu.vector_load %arg7[%parallel_loop3A_731, %parallel_loop3A_732, %parallel_loop3A_733] {strides = array<i32>} : memref<5x8x128xf32, #tpu.memory_space<vmem>>, vector<16xf32>,
        tpu.vector_store %arg7[%parallel_loop3A_731, %parallel_loop3A_732, %parallel_loop3A_733], %parallel_loop3A_729 {strides = array<i32>} : memref<5x8x128xf32, #tpu.memory_space<vmem>>, vector<16xf32>,
      } {sc.loop_unroll_factor = 8 : i64, sc.parallel_access}
      %add3A_435 = arith.addi %mul3A_2, %mul3A_431 : i32
      %dma_start3A_436 = arith.constant 0 : i32
      %dma_start3A_437 = arith.constant 0 : i32
      %dma_start3A_438 = arith.constant 0 : i32
      %dma_start3A_439 = arith.constant 0 : i32
      %dma_start3A_440 = tpu.memref_slice %arg7[%dma_start3A_436, %dma_start3A_438, %dma_start3A_439] : memref<5x8x128xf32, #tpu.memory_space<vmem>> -> memref<1x8x128xf32, #tpu.memory_space<vmem>>
      %dma_start3A_441 = tpu.memref_squeeze %dma_start3A_440 : memref<1x8x128xf32, #tpu.memory_space<vmem>> -> memref<8x128xf32, #tpu.memory_space<vmem>>
      %dma_start3A_442 = tpu.memref_slice %arg4[%dma_start3A_437, %mul3A_429, %add3A_435] : memref<5x200x16384xf32, #tpu.memory_space<hbm>> -> memref<1x8x128xf32, #tpu.memory_space<hbm>>
      %dma_start3A_443 = tpu.memref_squeeze %dma_start3A_442 : memref<1x8x128xf32, #tpu.memory_space<hbm>> -> memref<8x128xf32, #tpu.memory_space<hbm>>
      %dma_start3A_444 = tpu.memref_slice %arg4[%dma_start3A_437, %mul3A_429, %add3A_435] : memref<5x200x16384xf32, #tpu.memory_space<hbm>> -> memref<1x8x128xf32, #tpu.memory_space<hbm>>
      %dma_start3A_445 = tpu.memref_squeeze %dma_start3A_444 : memref<1x8x128xf32, #tpu.memory_space<hbm>> -> memref<8x128xf32, #tpu.memory_space<hbm>>
      %dma_start3A_446 = arith.constant 0 : i32
      %dma_start3A_447 = arith.constant 0 : i32
      %dma_start3A_448 = tpu.memref_slice %arg7[%dma_start3A_436, %dma_start3A_446, %dma_start3A_447] : memref<5x8x128xf32, #tpu.memory_space<vmem>> -> memref<1x8x128xf32, #tpu.memory_space<vmem>>
      %dma_start3A_449 = tpu.memref_squeeze %dma_start3A_448 : memref<1x8x128xf32, #tpu.memory_space<vmem>> -> memref<8x128xf32, #tpu.memory_space<vmem>>
      tpu.enqueue_dma source(%dma_start3A_449 : memref<8x128xf32, #tpu.memory_space<vmem>>) target(%dma_start3A_445 : memref<8x128xf32, #tpu.memory_space<hbm>>) target_semaphore(%arg9 : memref<!tpu.dma_semaphore, #tpu.memory_space<semaphore_mem>>)
      %add3A_450 = arith.addi %mul3A_2, %mul3A_431 : i32
      %dma_start3A_451 = arith.constant 1 : i32
      %dma_start3A_452 = arith.constant 1 : i32
      %dma_start3A_453 = arith.constant 0 : i32
      %dma_start3A_454 = arith.constant 0 : i32
      %dma_start3A_455 = tpu.memref_slice %arg7[%dma_start3A_451, %dma_start3A_453, %dma_start3A_454] : memref<5x8x128xf32, #tpu.memory_space<vmem>> -> memref<1x8x128xf32, #tpu.memory_space<vmem>>
      %dma_start3A_456 = tpu.memref_squeeze %dma_start3A_455 : memref<1x8x128xf32, #tpu.memory_space<vmem>> -> memref<8x128xf32, #tpu.memory_space<vmem>>
      %dma_start3A_457 = tpu.memref_slice %arg4[%dma_start3A_452, %mul3A_429, %add3A_450] : memref<5x200x16384xf32, #tpu.memory_space<hbm>> -> memref<1x8x128xf32, #tpu.memory_space<hbm>>
      %dma_start3A_458 = tpu.memref_squeeze %dma_start3A_457 : memref<1x8x128xf32, #tpu.memory_space<hbm>> -> memref<8x128xf32, #tpu.memory_space<hbm>>
      %dma_start3A_459 = tpu.memref_slice %arg4[%dma_start3A_452, %mul3A_429, %add3A_450] : memref<5x200x16384xf32, #tpu.memory_space<hbm>> -> memref<1x8x128xf32, #tpu.memory_space<hbm>>
      %dma_start3A_460 = tpu.memref_squeeze %dma_start3A_459 : memref<1x8x128xf32, #tpu.memory_space<hbm>> -> memref<8x128xf32, #tpu.memory_space<hbm>>
      %dma_start3A_461 = arith.constant 0 : i32
      %dma_start3A_462 = arith.constant 0 : i32
      %dma_start3A_463 = tpu.memref_slice %arg7[%dma_start3A_451, %dma_start3A_461, %dma_start3A_462] : memref<5x8x128xf32, #tpu.memory_space<vmem>> -> memref<1x8x128xf32, #tpu.memory_space<vmem>>
      %dma_start3A_464 = tpu.memref_squeeze %dma_start3A_463 : memref<1x8x128xf32, #tpu.memory_space<vmem>> -> memref<8x128xf32, #tpu.memory_space<vmem>>
      tpu.enqueue_dma source(%dma_start3A_464 : memref<8x128xf32, #tpu.memory_space<vmem>>) target(%dma_start3A_460 : memref<8x128xf32, #tpu.memory_space<hbm>>) target_semaphore(%arg9 : memref<!tpu.dma_semaphore, #tpu.memory_space<semaphore_mem>>)
      %add3A_465 = arith.addi %mul3A_2, %mul3A_431 : i32
      %dma_start3A_466 = arith.constant 2 : i32
      %dma_start3A_467 = arith.constant 2 : i32
      %dma_start3A_468 = arith.constant 0 : i32
      %dma_start3A_469 = arith.constant 0 : i32
      %dma_start3A_470 = tpu.memref_slice %arg7[%dma_start3A_466, %dma_start3A_468, %dma_start3A_469] : memref<5x8x128xf32, #tpu.memory_space<vmem>> -> memref<1x8x128xf32, #tpu.memory_space<vmem>>
      %dma_start3A_471 = tpu.memref_squeeze %dma_start3A_470 : memref<1x8x128xf32, #tpu.memory_space<vmem>> -> memref<8x128xf32, #tpu.memory_space<vmem>>
      %dma_start3A_472 = tpu.memref_slice %arg4[%dma_start3A_467, %mul3A_429, %add3A_465] : memref<5x200x16384xf32, #tpu.memory_space<hbm>> -> memref<1x8x128xf32, #tpu.memory_space<hbm>>
      %dma_start3A_473 = tpu.memref_squeeze %dma_start3A_472 : memref<1x8x128xf32, #tpu.memory_space<hbm>> -> memref<8x128xf32, #tpu.memory_space<hbm>>
      %dma_start3A_474 = tpu.memref_slice %arg4[%dma_start3A_467, %mul3A_429, %add3A_465] : memref<5x200x16384xf32, #tpu.memory_space<hbm>> -> memref<1x8x128xf32, #tpu.memory_space<hbm>>
      %dma_start3A_475 = tpu.memref_squeeze %dma_start3A_474 : memref<1x8x128xf32, #tpu.memory_space<hbm>> -> memref<8x128xf32, #tpu.memory_space<hbm>>
      %dma_start3A_476 = arith.constant 0 : i32
      %dma_start3A_477 = arith.constant 0 : i32
      %dma_start3A_478 = tpu.memref_slice %arg7[%dma_start3A_466, %dma_start3A_476, %dma_start3A_477] : memref<5x8x128xf32, #tpu.memory_space<vmem>> -> memref<1x8x128xf32, #tpu.memory_space<vmem>>
      %dma_start3A_479 = tpu.memref_squeeze %dma_start3A_478 : memref<1x8x128xf32, #tpu.memory_space<vmem>> -> memref<8x128xf32, #tpu.memory_space<vmem>>
      tpu.enqueue_dma source(%dma_start3A_479 : memref<8x128xf32, #tpu.memory_space<vmem>>) target(%dma_start3A_475 : memref<8x128xf32, #tpu.memory_space<hbm>>) target_semaphore(%arg9 : memref<!tpu.dma_semaphore, #tpu.memory_space<semaphore_mem>>)
      %add3A_480 = arith.addi %mul3A_2, %mul3A_431 : i32
      %dma_start3A_481 = arith.constant 3 : i32
      %dma_start3A_482 = arith.constant 3 : i32
      %dma_start3A_483 = arith.constant 0 : i32
      %dma_start3A_484 = arith.constant 0 : i32
      %dma_start3A_485 = tpu.memref_slice %arg7[%dma_start3A_481, %dma_start3A_483, %dma_start3A_484] : memref<5x8x128xf32, #tpu.memory_space<vmem>> -> memref<1x8x128xf32, #tpu.memory_space<vmem>>
      %dma_start3A_486 = tpu.memref_squeeze %dma_start3A_485 : memref<1x8x128xf32, #tpu.memory_space<vmem>> -> memref<8x128xf32, #tpu.memory_space<vmem>>
      %dma_start3A_487 = tpu.memref_slice %arg4[%dma_start3A_482, %mul3A_429, %add3A_480] : memref<5x200x16384xf32, #tpu.memory_space<hbm>> -> memref<1x8x128xf32, #tpu.memory_space<hbm>>
      %dma_start3A_488 = tpu.memref_squeeze %dma_start3A_487 : memref<1x8x128xf32, #tpu.memory_space<hbm>> -> memref<8x128xf32, #tpu.memory_space<hbm>>
      %dma_start3A_489 = tpu.memref_slice %arg4[%dma_start3A_482, %mul3A_429, %add3A_480] : memref<5x200x16384xf32, #tpu.memory_space<hbm>> -> memref<1x8x128xf32, #tpu.memory_space<hbm>>
      %dma_start3A_490 = tpu.memref_squeeze %dma_start3A_489 : memref<1x8x128xf32, #tpu.memory_space<hbm>> -> memref<8x128xf32, #tpu.memory_space<hbm>>
      %dma_start3A_491 = arith.constant 0 : i32
      %dma_start3A_492 = arith.constant 0 : i32
      %dma_start3A_493 = tpu.memref_slice %arg7[%dma_start3A_481, %dma_start3A_491, %dma_start3A_492] : memref<5x8x128xf32, #tpu.memory_space<vmem>> -> memref<1x8x128xf32, #tpu.memory_space<vmem>>
      %dma_start3A_494 = tpu.memref_squeeze %dma_start3A_493 : memref<1x8x128xf32, #tpu.memory_space<vmem>> -> memref<8x128xf32, #tpu.memory_space<vmem>>
      tpu.enqueue_dma source(%dma_start3A_494 : memref<8x128xf32, #tpu.memory_space<vmem>>) target(%dma_start3A_490 : memref<8x128xf32, #tpu.memory_space<hbm>>) target_semaphore(%arg9 : memref<!tpu.dma_semaphore, #tpu.memory_space<semaphore_mem>>)
      %add3A_495 = arith.addi %mul3A_2, %mul3A_431 : i32
      %dma_start3A_496 = arith.constant 4 : i32
      %dma_start3A_497 = arith.constant 4 : i32
      %dma_start3A_498 = arith.constant 0 : i32
      %dma_start3A_499 = arith.constant 0 : i32
      %dma_start3A_500 = tpu.memref_slice %arg7[%dma_start3A_496, %dma_start3A_498, %dma_start3A_499] : memref<5x8x128xf32, #tpu.memory_space<vmem>> -> memref<1x8x128xf32, #tpu.memory_space<vmem>>
      %dma_start3A_501 = tpu.memref_squeeze %dma_start3A_500 : memref<1x8x128xf32, #tpu.memory_space<vmem>> -> memref<8x128xf32, #tpu.memory_space<vmem>>
      %dma_start3A_502 = tpu.memref_slice %arg4[%dma_start3A_497, %mul3A_429, %add3A_495] : memref<5x200x16384xf32, #tpu.memory_space<hbm>> -> memref<1x8x128xf32, #tpu.memory_space<hbm>>
      %dma_start3A_503 = tpu.memref_squeeze %dma_start3A_502 : memref<1x8x128xf32, #tpu.memory_space<hbm>> -> memref<8x128xf32, #tpu.memory_space<hbm>>
      %dma_start3A_504 = tpu.memref_slice %arg4[%dma_start3A_497, %mul3A_429, %add3A_495] : memref<5x200x16384xf32, #tpu.memory_space<hbm>> -> memref<1x8x128xf32, #tpu.memory_space<hbm>>
      %dma_start3A_505 = tpu.memref_squeeze %dma_start3A_504 : memref<1x8x128xf32, #tpu.memory_space<hbm>> -> memref<8x128xf32, #tpu.memory_space<hbm>>
      %dma_start3A_506 = arith.constant 0 : i32
      %dma_start3A_507 = arith.constant 0 : i32
      %dma_start3A_508 = tpu.memref_slice %arg7[%dma_start3A_496, %dma_start3A_506, %dma_start3A_507] : memref<5x8x128xf32, #tpu.memory_space<vmem>> -> memref<1x8x128xf32, #tpu.memory_space<vmem>>
      %dma_start3A_509 = tpu.memref_squeeze %dma_start3A_508 : memref<1x8x128xf32, #tpu.memory_space<vmem>> -> memref<8x128xf32, #tpu.memory_space<vmem>>
      tpu.enqueue_dma source(%dma_start3A_509 : memref<8x128xf32, #tpu.memory_space<vmem>>) target(%dma_start3A_505 : memref<8x128xf32, #tpu.memory_space<hbm>>) target_semaphore(%arg9 : memref<!tpu.dma_semaphore, #tpu.memory_space<semaphore_mem>>)
      %dma_wait3A_510 = arith.constant 0 : i32
      %dma_wait3A_511 = arith.constant 0 : i32
      %dma_wait3A_512 = arith.constant 0 : i32
      %dma_wait3A_513 = arith.constant 0 : i32
      %dma_wait3A_514 = tpu.memref_slice %arg8[%dma_wait3A_510, %dma_wait3A_512, %dma_wait3A_513] : memref<5x8x128xf32, #tpu.memory_space<vmem>> -> memref<1x8x128xf32, #tpu.memory_space<vmem>>
      %dma_wait3A_515 = tpu.memref_squeeze %dma_wait3A_514 : memref<1x8x128xf32, #tpu.memory_space<vmem>> -> memref<8x128xf32, #tpu.memory_space<vmem>>
      %dma_wait3A_516 = arith.constant 0 : i32
      %dma_wait3A_517 = tpu.memref_slice %arg4[%dma_wait3A_511, %dma_wait3A_516, %mul3A_2] : memref<5x200x16384xf32, #tpu.memory_space<hbm>> -> memref<1x8x128xf32, #tpu.memory_space<hbm>>
      %dma_wait3A_518 = tpu.memref_squeeze %dma_wait3A_517 : memref<1x8x128xf32, #tpu.memory_space<hbm>> -> memref<8x128xf32, #tpu.memory_space<hbm>>
      %dma_wait3A_519 = arith.constant 0 : i32
      %dma_wait3A_520 = tpu.memref_slice %arg4[%dma_wait3A_511, %dma_wait3A_519, %mul3A_2] : memref<5x200x16384xf32, #tpu.memory_space<hbm>> -> memref<1x8x128xf32, #tpu.memory_space<hbm>>
      %dma_wait3A_521 = tpu.memref_squeeze %dma_wait3A_520 : memref<1x8x128xf32, #tpu.memory_space<hbm>> -> memref<8x128xf32, #tpu.memory_space<hbm>>
      %dma_wait3A_522 = arith.constant 0 : i32
      %dma_wait3A_523 = arith.constant 0 : i32
      %dma_wait3A_524 = tpu.memref_slice %arg8[%dma_wait3A_510, %dma_wait3A_522, %dma_wait3A_523] : memref<5x8x128xf32, #tpu.memory_space<vmem>> -> memref<1x8x128xf32, #tpu.memory_space<vmem>>
      %dma_wait3A_525 = tpu.memref_squeeze %dma_wait3A_524 : memref<1x8x128xf32, #tpu.memory_space<vmem>> -> memref<8x128xf32, #tpu.memory_space<vmem>>
      tpu.wait_dma2 semaphore(%arg10 : memref<!tpu.dma_semaphore, #tpu.memory_space<semaphore_mem>>) src(%dma_wait3A_525 : memref<8x128xf32, #tpu.memory_space<vmem>>) dst(%dma_wait3A_521 : memref<8x128xf32, #tpu.memory_space<hbm>>)
      %dma_wait3A_526 = arith.constant 1 : i32
      %dma_wait3A_527 = arith.constant 1 : i32
      %dma_wait3A_528 = arith.constant 0 : i32
      %dma_wait3A_529 = arith.constant 0 : i32
      %dma_wait3A_530 = tpu.memref_slice %arg8[%dma_wait3A_526, %dma_wait3A_528, %dma_wait3A_529] : memref<5x8x128xf32, #tpu.memory_space<vmem>> -> memref<1x8x128xf32, #tpu.memory_space<vmem>>
      %dma_wait3A_531 = tpu.memref_squeeze %dma_wait3A_530 : memref<1x8x128xf32, #tpu.memory_space<vmem>> -> memref<8x128xf32, #tpu.memory_space<vmem>>
      %dma_wait3A_532 = arith.constant 0 : i32
      %dma_wait3A_533 = tpu.memref_slice %arg4[%dma_wait3A_527, %dma_wait3A_532, %mul3A_2] : memref<5x200x16384xf32, #tpu.memory_space<hbm>> -> memref<1x8x128xf32, #tpu.memory_space<hbm>>
      %dma_wait3A_534 = tpu.memref_squeeze %dma_wait3A_533 : memref<1x8x128xf32, #tpu.memory_space<hbm>> -> memref<8x128xf32, #tpu.memory_space<hbm>>
      %dma_wait3A_535 = arith.constant 0 : i32
      %dma_wait3A_536 = tpu.memref_slice %arg4[%dma_wait3A_527, %dma_wait3A_535, %mul3A_2] : memref<5x200x16384xf32, #tpu.memory_space<hbm>> -> memref<1x8x128xf32, #tpu.memory_space<hbm>>
      %dma_wait3A_537 = tpu.memref_squeeze %dma_wait3A_536 : memref<1x8x128xf32, #tpu.memory_space<hbm>> -> memref<8x128xf32, #tpu.memory_space<hbm>>
      %dma_wait3A_538 = arith.constant 0 : i32
      %dma_wait3A_539 = arith.constant 0 : i32
      %dma_wait3A_540 = tpu.memref_slice %arg8[%dma_wait3A_526, %dma_wait3A_538, %dma_wait3A_539] : memref<5x8x128xf32, #tpu.memory_space<vmem>> -> memref<1x8x128xf32, #tpu.memory_space<vmem>>
      %dma_wait3A_541 = tpu.memref_squeeze %dma_wait3A_540 : memref<1x8x128xf32, #tpu.memory_space<vmem>> -> memref<8x128xf32, #tpu.memory_space<vmem>>
      tpu.wait_dma2 semaphore(%arg10 : memref<!tpu.dma_semaphore, #tpu.memory_space<semaphore_mem>>) src(%dma_wait3A_541 : memref<8x128xf32, #tpu.memory_space<vmem>>) dst(%dma_wait3A_537 : memref<8x128xf32, #tpu.memory_space<hbm>>)
      %dma_wait3A_542 = arith.constant 2 : i32
      %dma_wait3A_543 = arith.constant 2 : i32
      %dma_wait3A_544 = arith.constant 0 : i32
      %dma_wait3A_545 = arith.constant 0 : i32
      %dma_wait3A_546 = tpu.memref_slice %arg8[%dma_wait3A_542, %dma_wait3A_544, %dma_wait3A_545] : memref<5x8x128xf32, #tpu.memory_space<vmem>> -> memref<1x8x128xf32, #tpu.memory_space<vmem>>
      %dma_wait3A_547 = tpu.memref_squeeze %dma_wait3A_546 : memref<1x8x128xf32, #tpu.memory_space<vmem>> -> memref<8x128xf32, #tpu.memory_space<vmem>>
      %dma_wait3A_548 = arith.constant 0 : i32
      %dma_wait3A_549 = tpu.memref_slice %arg4[%dma_wait3A_543, %dma_wait3A_548, %mul3A_2] : memref<5x200x16384xf32, #tpu.memory_space<hbm>> -> memref<1x8x128xf32, #tpu.memory_space<hbm>>
      %dma_wait3A_550 = tpu.memref_squeeze %dma_wait3A_549 : memref<1x8x128xf32, #tpu.memory_space<hbm>> -> memref<8x128xf32, #tpu.memory_space<hbm>>
      %dma_wait3A_551 = arith.constant 0 : i32
      %dma_wait3A_552 = tpu.memref_slice %arg4[%dma_wait3A_543, %dma_wait3A_551, %mul3A_2] : memref<5x200x16384xf32, #tpu.memory_space<hbm>> -> memref<1x8x128xf32, #tpu.memory_space<hbm>>
      %dma_wait3A_553 = tpu.memref_squeeze %dma_wait3A_552 : memref<1x8x128xf32, #tpu.memory_space<hbm>> -> memref<8x128xf32, #tpu.memory_space<hbm>>
      %dma_wait3A_554 = arith.constant 0 : i32
      %dma_wait3A_555 = arith.constant 0 : i32
      %dma_wait3A_556 = tpu.memref_slice %arg8[%dma_wait3A_542, %dma_wait3A_554, %dma_wait3A_555] : memref<5x8x128xf32, #tpu.memory_space<vmem>> -> memref<1x8x128xf32, #tpu.memory_space<vmem>>
      %dma_wait3A_557 = tpu.memref_squeeze %dma_wait3A_556 : memref<1x8x128xf32, #tpu.memory_space<vmem>> -> memref<8x128xf32, #tpu.memory_space<vmem>>
      tpu.wait_dma2 semaphore(%arg10 : memref<!tpu.dma_semaphore, #tpu.memory_space<semaphore_mem>>) src(%dma_wait3A_557 : memref<8x128xf32, #tpu.memory_space<vmem>>) dst(%dma_wait3A_553 : memref<8x128xf32, #tpu.memory_space<hbm>>)
      %dma_wait3A_558 = arith.constant 3 : i32
      %dma_wait3A_559 = arith.constant 3 : i32
      %dma_wait3A_560 = arith.constant 0 : i32
      %dma_wait3A_561 = arith.constant 0 : i32
      %dma_wait3A_562 = tpu.memref_slice %arg8[%dma_wait3A_558, %dma_wait3A_560, %dma_wait3A_561] : memref<5x8x128xf32, #tpu.memory_space<vmem>> -> memref<1x8x128xf32, #tpu.memory_space<vmem>>
      %dma_wait3A_563 = tpu.memref_squeeze %dma_wait3A_562 : memref<1x8x128xf32, #tpu.memory_space<vmem>> -> memref<8x128xf32, #tpu.memory_space<vmem>>
      %dma_wait3A_564 = arith.constant 0 : i32
      %dma_wait3A_565 = tpu.memref_slice %arg4[%dma_wait3A_559, %dma_wait3A_564, %mul3A_2] : memref<5x200x16384xf32, #tpu.memory_space<hbm>> -> memref<1x8x128xf32, #tpu.memory_space<hbm>>
      %dma_wait3A_566 = tpu.memref_squeeze %dma_wait3A_565 : memref<1x8x128xf32, #tpu.memory_space<hbm>> -> memref<8x128xf32, #tpu.memory_space<hbm>>
      %dma_wait3A_567 = arith.constant 0 : i32
      %dma_wait3A_568 = tpu.memref_slice %arg4[%dma_wait3A_559, %dma_wait3A_567, %mul3A_2] : memref<5x200x16384xf32, #tpu.memory_space<hbm>> -> memref<1x8x128xf32, #tpu.memory_space<hbm>>
      %dma_wait3A_569 = tpu.memref_squeeze %dma_wait3A_568 : memref<1x8x128xf32, #tpu.memory_space<hbm>> -> memref<8x128xf32, #tpu.memory_space<hbm>>
      %dma_wait3A_570 = arith.constant 0 : i32
      %dma_wait3A_571 = arith.constant 0 : i32
      %dma_wait3A_572 = tpu.memref_slice %arg8[%dma_wait3A_558, %dma_wait3A_570, %dma_wait3A_571] : memref<5x8x128xf32, #tpu.memory_space<vmem>> -> memref<1x8x128xf32, #tpu.memory_space<vmem>>
      %dma_wait3A_573 = tpu.memref_squeeze %dma_wait3A_572 : memref<1x8x128xf32, #tpu.memory_space<vmem>> -> memref<8x128xf32, #tpu.memory_space<vmem>>
      tpu.wait_dma2 semaphore(%arg10 : memref<!tpu.dma_semaphore, #tpu.memory_space<semaphore_mem>>) src(%dma_wait3A_573 : memref<8x128xf32, #tpu.memory_space<vmem>>) dst(%dma_wait3A_569 : memref<8x128xf32, #tpu.memory_space<hbm>>)
      %dma_wait3A_574 = arith.constant 4 : i32
      %dma_wait3A_575 = arith.constant 4 : i32
      %dma_wait3A_576 = arith.constant 0 : i32
      %dma_wait3A_577 = arith.constant 0 : i32
      %dma_wait3A_578 = tpu.memref_slice %arg8[%dma_wait3A_574, %dma_wait3A_576, %dma_wait3A_577] : memref<5x8x128xf32, #tpu.memory_space<vmem>> -> memref<1x8x128xf32, #tpu.memory_space<vmem>>
      %dma_wait3A_579 = tpu.memref_squeeze %dma_wait3A_578 : memref<1x8x128xf32, #tpu.memory_space<vmem>> -> memref<8x128xf32, #tpu.memory_space<vmem>>
      %dma_wait3A_580 = arith.constant 0 : i32
      %dma_wait3A_581 = tpu.memref_slice %arg4[%dma_wait3A_575, %dma_wait3A_580, %mul3A_2] : memref<5x200x16384xf32, #tpu.memory_space<hbm>> -> memref<1x8x128xf32, #tpu.memory_space<hbm>>
      %dma_wait3A_582 = tpu.memref_squeeze %dma_wait3A_581 : memref<1x8x128xf32, #tpu.memory_space<hbm>> -> memref<8x128xf32, #tpu.memory_space<hbm>>
      %dma_wait3A_583 = arith.constant 0 : i32
      %dma_wait3A_584 = tpu.memref_slice %arg4[%dma_wait3A_575, %dma_wait3A_583, %mul3A_2] : memref<5x200x16384xf32, #tpu.memory_space<hbm>> -> memref<1x8x128xf32, #tpu.memory_space<hbm>>
      %dma_wait3A_585 = tpu.memref_squeeze %dma_wait3A_584 : memref<1x8x128xf32, #tpu.memory_space<hbm>> -> memref<8x128xf32, #tpu.memory_space<hbm>>
      %dma_wait3A_586 = arith.constant 0 : i32
      %dma_wait3A_587 = arith.constant 0 : i32
      %dma_wait3A_588 = tpu.memref_slice %arg8[%dma_wait3A_574, %dma_wait3A_586, %dma_wait3A_587] : memref<5x8x128xf32, #tpu.memory_space<vmem>> -> memref<1x8x128xf32, #tpu.memory_space<vmem>>
      %dma_wait3A_589 = tpu.memref_squeeze %dma_wait3A_588 : memref<1x8x128xf32, #tpu.memory_space<vmem>> -> memref<8x128xf32, #tpu.memory_space<vmem>>
      tpu.wait_dma2 semaphore(%arg10 : memref<!tpu.dma_semaphore, #tpu.memory_space<semaphore_mem>>) src(%dma_wait3A_589 : memref<8x128xf32, #tpu.memory_space<vmem>>) dst(%dma_wait3A_585 : memref<8x128xf32, #tpu.memory_space<hbm>>)
      %add3A_590 = arith.constant 1 : i32
      %add3A_591 = arith.addi %add3A_343, %add3A_590 : i32
      %rem3A_592 = arith.constant 4 : i32
      %rem3A_593 = arith.remsi %add3A_591, %rem3A_592 : i32
      %div3A_594 = arith.constant 4 : i32
      %div3A_595 = arith.divsi %add3A_591, %div3A_594 : i32
      %mul3A_596 = arith.constant 8 : i32
      %mul3A_597 = arith.muli %div3A_595, %mul3A_596 : i32
      %mul3A_598 = arith.constant 128 : i32
      %mul3A_599 = arith.muli %rem3A_593, %mul3A_598 : i32
      %parallel_loop3A_600 = arith.constant 0 : i32
      %parallel_loop3A_601 = arith.constant 64 : i32
      %parallel_loop3A_602 = arith.constant 1 : i32
      scf.for %parallel_loop3A_678 = %parallel_loop3A_600 to %parallel_loop3A_601 step %parallel_loop3A_602  : i32 {
        %parallel_loop3A_679 = arith.constant 3 : i32
        %parallel_loop3A_680 = arith.shrsi %parallel_loop3A_678, %parallel_loop3A_679 : i32
        %parallel_loop3A_681 = arith.constant 7 : i32
        %parallel_loop3A_682 = arith.andi %parallel_loop3A_678, %parallel_loop3A_681 : i32
        %parallel_loop3A_683 = arith.constant 16 : i32
        %parallel_loop3A_684 = arith.muli %parallel_loop3A_682, %parallel_loop3A_683 : i32
        %parallel_loop3A_685 = arith.addi %mul3A_597, %parallel_loop3A_680 : i32
        %parallel_loop3A_686 = arith.addi %mul3A_599, %parallel_loop3A_684 : i32
        %parallel_loop3A_687 = arith.index_cast %parallel_loop3A_685 : i32 to index
        %parallel_loop3A_688 = arith.index_cast %parallel_loop3A_686 : i32 to index
        %parallel_loop3A_689 = tpu.vector_load %arg6[%parallel_loop3A_687, %parallel_loop3A_688] {strides = array<i32>} : memref<200x512xi32, #tpu.memory_space<vmem>>, vector<16xi32>,
        %parallel_loop3A_690 = arith.constant 0 : i32
        %parallel_loop3A_691 = vector.broadcast %parallel_loop3A_690 : i32 to vector<16xi32>
        %parallel_loop3A_692 = arith.addi %parallel_loop3A_689, %parallel_loop3A_691 : vector<16xi32>
        %parallel_loop3A_693 = tpu.vector_load_idx %arg5[%parallel_loop3A_692] : memref<5000xf32, #tpu.memory_space<vmem>>[vector<16xi32>], vector<16xf32>,
        %parallel_loop3A_694 = arith.constant 0 : i32
        %parallel_loop3A_695 = arith.index_cast %parallel_loop3A_694 : i32 to index
        %parallel_loop3A_696 = arith.index_cast %parallel_loop3A_680 : i32 to index
        %parallel_loop3A_697 = arith.index_cast %parallel_loop3A_684 : i32 to index
        %parallel_loop3A_698 = tpu.vector_load %arg8[%parallel_loop3A_695, %parallel_loop3A_696, %parallel_loop3A_697] {strides = array<i32>} : memref<5x8x128xf32, #tpu.memory_space<vmem>>, vector<16xf32>,
        tpu.vector_store %arg8[%parallel_loop3A_695, %parallel_loop3A_696, %parallel_loop3A_697], %parallel_loop3A_693 {strides = array<i32>} : memref<5x8x128xf32, #tpu.memory_space<vmem>>, vector<16xf32>,
        %parallel_loop3A_699 = arith.constant 1000 : i32
        %parallel_loop3A_700 = vector.broadcast %parallel_loop3A_699 : i32 to vector<16xi32>
        %parallel_loop3A_701 = arith.addi %parallel_loop3A_689, %parallel_loop3A_700 : vector<16xi32>
        %parallel_loop3A_702 = tpu.vector_load_idx %arg5[%parallel_loop3A_701] : memref<5000xf32, #tpu.memory_space<vmem>>[vector<16xi32>], vector<16xf32>,
        %parallel_loop3A_703 = arith.constant 1 : i32
        %parallel_loop3A_704 = arith.index_cast %parallel_loop3A_703 : i32 to index
        %parallel_loop3A_705 = arith.index_cast %parallel_loop3A_680 : i32 to index
        %parallel_loop3A_706 = arith.index_cast %parallel_loop3A_684 : i32 to index
        %parallel_loop3A_707 = tpu.vector_load %arg8[%parallel_loop3A_704, %parallel_loop3A_705, %parallel_loop3A_706] {strides = array<i32>} : memref<5x8x128xf32, #tpu.memory_space<vmem>>, vector<16xf32>,
        tpu.vector_store %arg8[%parallel_loop3A_704, %parallel_loop3A_705, %parallel_loop3A_706], %parallel_loop3A_702 {strides = array<i32>} : memref<5x8x128xf32, #tpu.memory_space<vmem>>, vector<16xf32>,
        %parallel_loop3A_708 = arith.constant 2000 : i32
        %parallel_loop3A_709 = vector.broadcast %parallel_loop3A_708 : i32 to vector<16xi32>
        %parallel_loop3A_710 = arith.addi %parallel_loop3A_689, %parallel_loop3A_709 : vector<16xi32>
        %parallel_loop3A_711 = tpu.vector_load_idx %arg5[%parallel_loop3A_710] : memref<5000xf32, #tpu.memory_space<vmem>>[vector<16xi32>], vector<16xf32>,
        %parallel_loop3A_712 = arith.constant 2 : i32
        %parallel_loop3A_713 = arith.index_cast %parallel_loop3A_712 : i32 to index
        %parallel_loop3A_714 = arith.index_cast %parallel_loop3A_680 : i32 to index
        %parallel_loop3A_715 = arith.index_cast %parallel_loop3A_684 : i32 to index
        %parallel_loop3A_716 = tpu.vector_load %arg8[%parallel_loop3A_713, %parallel_loop3A_714, %parallel_loop3A_715] {strides = array<i32>} : memref<5x8x128xf32, #tpu.memory_space<vmem>>, vector<16xf32>,
        tpu.vector_store %arg8[%parallel_loop3A_713, %parallel_loop3A_714, %parallel_loop3A_715], %parallel_loop3A_711 {strides = array<i32>} : memref<5x8x128xf32, #tpu.memory_space<vmem>>, vector<16xf32>,
        %parallel_loop3A_717 = arith.constant 3000 : i32
        %parallel_loop3A_718 = vector.broadcast %parallel_loop3A_717 : i32 to vector<16xi32>
        %parallel_loop3A_719 = arith.addi %parallel_loop3A_689, %parallel_loop3A_718 : vector<16xi32>
        %parallel_loop3A_720 = tpu.vector_load_idx %arg5[%parallel_loop3A_719] : memref<5000xf32, #tpu.memory_space<vmem>>[vector<16xi32>], vector<16xf32>,
        %parallel_loop3A_721 = arith.constant 3 : i32
        %parallel_loop3A_722 = arith.index_cast %parallel_loop3A_721 : i32 to index
        %parallel_loop3A_723 = arith.index_cast %parallel_loop3A_680 : i32 to index
        %parallel_loop3A_724 = arith.index_cast %parallel_loop3A_684 : i32 to index
        %parallel_loop3A_725 = tpu.vector_load %arg8[%parallel_loop3A_722, %parallel_loop3A_723, %parallel_loop3A_724] {strides = array<i32>} : memref<5x8x128xf32, #tpu.memory_space<vmem>>, vector<16xf32>,
        tpu.vector_store %arg8[%parallel_loop3A_722, %parallel_loop3A_723, %parallel_loop3A_724], %parallel_loop3A_720 {strides = array<i32>} : memref<5x8x128xf32, #tpu.memory_space<vmem>>, vector<16xf32>,
        %parallel_loop3A_726 = arith.constant 4000 : i32
        %parallel_loop3A_727 = vector.broadcast %parallel_loop3A_726 : i32 to vector<16xi32>
        %parallel_loop3A_728 = arith.addi %parallel_loop3A_689, %parallel_loop3A_727 : vector<16xi32>
        %parallel_loop3A_729 = tpu.vector_load_idx %arg5[%parallel_loop3A_728] : memref<5000xf32, #tpu.memory_space<vmem>>[vector<16xi32>], vector<16xf32>,
        %parallel_loop3A_730 = arith.constant 4 : i32
        %parallel_loop3A_731 = arith.index_cast %parallel_loop3A_730 : i32 to index
        %parallel_loop3A_732 = arith.index_cast %parallel_loop3A_680 : i32 to index
        %parallel_loop3A_733 = arith.index_cast %parallel_loop3A_684 : i32 to index
        %parallel_loop3A_734 = tpu.vector_load %arg8[%parallel_loop3A_731, %parallel_loop3A_732, %parallel_loop3A_733] {strides = array<i32>} : memref<5x8x128xf32, #tpu.memory_space<vmem>>, vector<16xf32>,
        tpu.vector_store %arg8[%parallel_loop3A_731, %parallel_loop3A_732, %parallel_loop3A_733], %parallel_loop3A_729 {strides = array<i32>} : memref<5x8x128xf32, #tpu.memory_space<vmem>>, vector<16xf32>,
      } {sc.loop_unroll_factor = 8 : i64, sc.parallel_access}
      %add3A_603 = arith.addi %mul3A_2, %mul3A_599 : i32
      %dma_start3A_604 = arith.constant 0 : i32
      %dma_start3A_605 = arith.constant 0 : i32
      %dma_start3A_606 = arith.constant 0 : i32
      %dma_start3A_607 = arith.constant 0 : i32
      %dma_start3A_608 = tpu.memref_slice %arg8[%dma_start3A_604, %dma_start3A_606, %dma_start3A_607] : memref<5x8x128xf32, #tpu.memory_space<vmem>> -> memref<1x8x128xf32, #tpu.memory_space<vmem>>
      %dma_start3A_609 = tpu.memref_squeeze %dma_start3A_608 : memref<1x8x128xf32, #tpu.memory_space<vmem>> -> memref<8x128xf32, #tpu.memory_space<vmem>>
      %dma_start3A_610 = tpu.memref_slice %arg4[%dma_start3A_605, %mul3A_597, %add3A_603] : memref<5x200x16384xf32, #tpu.memory_space<hbm>> -> memref<1x8x128xf32, #tpu.memory_space<hbm>>
      %dma_start3A_611 = tpu.memref_squeeze %dma_start3A_610 : memref<1x8x128xf32, #tpu.memory_space<hbm>> -> memref<8x128xf32, #tpu.memory_space<hbm>>
      %dma_start3A_612 = tpu.memref_slice %arg4[%dma_start3A_605, %mul3A_597, %add3A_603] : memref<5x200x16384xf32, #tpu.memory_space<hbm>> -> memref<1x8x128xf32, #tpu.memory_space<hbm>>
      %dma_start3A_613 = tpu.memref_squeeze %dma_start3A_612 : memref<1x8x128xf32, #tpu.memory_space<hbm>> -> memref<8x128xf32, #tpu.memory_space<hbm>>
      %dma_start3A_614 = arith.constant 0 : i32
      %dma_start3A_615 = arith.constant 0 : i32
      %dma_start3A_616 = tpu.memref_slice %arg8[%dma_start3A_604, %dma_start3A_614, %dma_start3A_615] : memref<5x8x128xf32, #tpu.memory_space<vmem>> -> memref<1x8x128xf32, #tpu.memory_space<vmem>>
      %dma_start3A_617 = tpu.memref_squeeze %dma_start3A_616 : memref<1x8x128xf32, #tpu.memory_space<vmem>> -> memref<8x128xf32, #tpu.memory_space<vmem>>
      tpu.enqueue_dma source(%dma_start3A_617 : memref<8x128xf32, #tpu.memory_space<vmem>>) target(%dma_start3A_613 : memref<8x128xf32, #tpu.memory_space<hbm>>) target_semaphore(%arg10 : memref<!tpu.dma_semaphore, #tpu.memory_space<semaphore_mem>>)
      %add3A_618 = arith.addi %mul3A_2, %mul3A_599 : i32
      %dma_start3A_619 = arith.constant 1 : i32
      %dma_start3A_620 = arith.constant 1 : i32
      %dma_start3A_621 = arith.constant 0 : i32
      %dma_start3A_622 = arith.constant 0 : i32
      %dma_start3A_623 = tpu.memref_slice %arg8[%dma_start3A_619, %dma_start3A_621, %dma_start3A_622] : memref<5x8x128xf32, #tpu.memory_space<vmem>> -> memref<1x8x128xf32, #tpu.memory_space<vmem>>
      %dma_start3A_624 = tpu.memref_squeeze %dma_start3A_623 : memref<1x8x128xf32, #tpu.memory_space<vmem>> -> memref<8x128xf32, #tpu.memory_space<vmem>>
      %dma_start3A_625 = tpu.memref_slice %arg4[%dma_start3A_620, %mul3A_597, %add3A_618] : memref<5x200x16384xf32, #tpu.memory_space<hbm>> -> memref<1x8x128xf32, #tpu.memory_space<hbm>>
      %dma_start3A_626 = tpu.memref_squeeze %dma_start3A_625 : memref<1x8x128xf32, #tpu.memory_space<hbm>> -> memref<8x128xf32, #tpu.memory_space<hbm>>
      %dma_start3A_627 = tpu.memref_slice %arg4[%dma_start3A_620, %mul3A_597, %add3A_618] : memref<5x200x16384xf32, #tpu.memory_space<hbm>> -> memref<1x8x128xf32, #tpu.memory_space<hbm>>
      %dma_start3A_628 = tpu.memref_squeeze %dma_start3A_627 : memref<1x8x128xf32, #tpu.memory_space<hbm>> -> memref<8x128xf32, #tpu.memory_space<hbm>>
      %dma_start3A_629 = arith.constant 0 : i32
      %dma_start3A_630 = arith.constant 0 : i32
      %dma_start3A_631 = tpu.memref_slice %arg8[%dma_start3A_619, %dma_start3A_629, %dma_start3A_630] : memref<5x8x128xf32, #tpu.memory_space<vmem>> -> memref<1x8x128xf32, #tpu.memory_space<vmem>>
      %dma_start3A_632 = tpu.memref_squeeze %dma_start3A_631 : memref<1x8x128xf32, #tpu.memory_space<vmem>> -> memref<8x128xf32, #tpu.memory_space<vmem>>
      tpu.enqueue_dma source(%dma_start3A_632 : memref<8x128xf32, #tpu.memory_space<vmem>>) target(%dma_start3A_628 : memref<8x128xf32, #tpu.memory_space<hbm>>) target_semaphore(%arg10 : memref<!tpu.dma_semaphore, #tpu.memory_space<semaphore_mem>>)
      %add3A_633 = arith.addi %mul3A_2, %mul3A_599 : i32
      %dma_start3A_634 = arith.constant 2 : i32
      %dma_start3A_635 = arith.constant 2 : i32
      %dma_start3A_636 = arith.constant 0 : i32
      %dma_start3A_637 = arith.constant 0 : i32
      %dma_start3A_638 = tpu.memref_slice %arg8[%dma_start3A_634, %dma_start3A_636, %dma_start3A_637] : memref<5x8x128xf32, #tpu.memory_space<vmem>> -> memref<1x8x128xf32, #tpu.memory_space<vmem>>
      %dma_start3A_639 = tpu.memref_squeeze %dma_start3A_638 : memref<1x8x128xf32, #tpu.memory_space<vmem>> -> memref<8x128xf32, #tpu.memory_space<vmem>>
      %dma_start3A_640 = tpu.memref_slice %arg4[%dma_start3A_635, %mul3A_597, %add3A_633] : memref<5x200x16384xf32, #tpu.memory_space<hbm>> -> memref<1x8x128xf32, #tpu.memory_space<hbm>>
      %dma_start3A_641 = tpu.memref_squeeze %dma_start3A_640 : memref<1x8x128xf32, #tpu.memory_space<hbm>> -> memref<8x128xf32, #tpu.memory_space<hbm>>
      %dma_start3A_642 = tpu.memref_slice %arg4[%dma_start3A_635, %mul3A_597, %add3A_633] : memref<5x200x16384xf32, #tpu.memory_space<hbm>> -> memref<1x8x128xf32, #tpu.memory_space<hbm>>
      %dma_start3A_643 = tpu.memref_squeeze %dma_start3A_642 : memref<1x8x128xf32, #tpu.memory_space<hbm>> -> memref<8x128xf32, #tpu.memory_space<hbm>>
      %dma_start3A_644 = arith.constant 0 : i32
      %dma_start3A_645 = arith.constant 0 : i32
      %dma_start3A_646 = tpu.memref_slice %arg8[%dma_start3A_634, %dma_start3A_644, %dma_start3A_645] : memref<5x8x128xf32, #tpu.memory_space<vmem>> -> memref<1x8x128xf32, #tpu.memory_space<vmem>>
      %dma_start3A_647 = tpu.memref_squeeze %dma_start3A_646 : memref<1x8x128xf32, #tpu.memory_space<vmem>> -> memref<8x128xf32, #tpu.memory_space<vmem>>
      tpu.enqueue_dma source(%dma_start3A_647 : memref<8x128xf32, #tpu.memory_space<vmem>>) target(%dma_start3A_643 : memref<8x128xf32, #tpu.memory_space<hbm>>) target_semaphore(%arg10 : memref<!tpu.dma_semaphore, #tpu.memory_space<semaphore_mem>>)
      %add3A_648 = arith.addi %mul3A_2, %mul3A_599 : i32
      %dma_start3A_649 = arith.constant 3 : i32
      %dma_start3A_650 = arith.constant 3 : i32
      %dma_start3A_651 = arith.constant 0 : i32
      %dma_start3A_652 = arith.constant 0 : i32
      %dma_start3A_653 = tpu.memref_slice %arg8[%dma_start3A_649, %dma_start3A_651, %dma_start3A_652] : memref<5x8x128xf32, #tpu.memory_space<vmem>> -> memref<1x8x128xf32, #tpu.memory_space<vmem>>
      %dma_start3A_654 = tpu.memref_squeeze %dma_start3A_653 : memref<1x8x128xf32, #tpu.memory_space<vmem>> -> memref<8x128xf32, #tpu.memory_space<vmem>>
      %dma_start3A_655 = tpu.memref_slice %arg4[%dma_start3A_650, %mul3A_597, %add3A_648] : memref<5x200x16384xf32, #tpu.memory_space<hbm>> -> memref<1x8x128xf32, #tpu.memory_space<hbm>>
      %dma_start3A_656 = tpu.memref_squeeze %dma_start3A_655 : memref<1x8x128xf32, #tpu.memory_space<hbm>> -> memref<8x128xf32, #tpu.memory_space<hbm>>
      %dma_start3A_657 = tpu.memref_slice %arg4[%dma_start3A_650, %mul3A_597, %add3A_648] : memref<5x200x16384xf32, #tpu.memory_space<hbm>> -> memref<1x8x128xf32, #tpu.memory_space<hbm>>
      %dma_start3A_658 = tpu.memref_squeeze %dma_start3A_657 : memref<1x8x128xf32, #tpu.memory_space<hbm>> -> memref<8x128xf32, #tpu.memory_space<hbm>>
      %dma_start3A_659 = arith.constant 0 : i32
      %dma_start3A_660 = arith.constant 0 : i32
      %dma_start3A_661 = tpu.memref_slice %arg8[%dma_start3A_649, %dma_start3A_659, %dma_start3A_660] : memref<5x8x128xf32, #tpu.memory_space<vmem>> -> memref<1x8x128xf32, #tpu.memory_space<vmem>>
      %dma_start3A_662 = tpu.memref_squeeze %dma_start3A_661 : memref<1x8x128xf32, #tpu.memory_space<vmem>> -> memref<8x128xf32, #tpu.memory_space<vmem>>
      tpu.enqueue_dma source(%dma_start3A_662 : memref<8x128xf32, #tpu.memory_space<vmem>>) target(%dma_start3A_658 : memref<8x128xf32, #tpu.memory_space<hbm>>) target_semaphore(%arg10 : memref<!tpu.dma_semaphore, #tpu.memory_space<semaphore_mem>>)
      %add3A_663 = arith.addi %mul3A_2, %mul3A_599 : i32
      %dma_start3A_664 = arith.constant 4 : i32
      %dma_start3A_665 = arith.constant 4 : i32
      %dma_start3A_666 = arith.constant 0 : i32
      %dma_start3A_667 = arith.constant 0 : i32
      %dma_start3A_668 = tpu.memref_slice %arg8[%dma_start3A_664, %dma_start3A_666, %dma_start3A_667] : memref<5x8x128xf32, #tpu.memory_space<vmem>> -> memref<1x8x128xf32, #tpu.memory_space<vmem>>
      %dma_start3A_669 = tpu.memref_squeeze %dma_start3A_668 : memref<1x8x128xf32, #tpu.memory_space<vmem>> -> memref<8x128xf32, #tpu.memory_space<vmem>>
      %dma_start3A_670 = tpu.memref_slice %arg4[%dma_start3A_665, %mul3A_597, %add3A_663] : memref<5x200x16384xf32, #tpu.memory_space<hbm>> -> memref<1x8x128xf32, #tpu.memory_space<hbm>>
      %dma_start3A_671 = tpu.memref_squeeze %dma_start3A_670 : memref<1x8x128xf32, #tpu.memory_space<hbm>> -> memref<8x128xf32, #tpu.memory_space<hbm>>
      %dma_start3A_672 = tpu.memref_slice %arg4[%dma_start3A_665, %mul3A_597, %add3A_663] : memref<5x200x16384xf32, #tpu.memory_space<hbm>> -> memref<1x8x128xf32, #tpu.memory_space<hbm>>
      %dma_start3A_673 = tpu.memref_squeeze %dma_start3A_672 : memref<1x8x128xf32, #tpu.memory_space<hbm>> -> memref<8x128xf32, #tpu.memory_space<hbm>>
      %dma_start3A_674 = arith.constant 0 : i32
      %dma_start3A_675 = arith.constant 0 : i32
      %dma_start3A_676 = tpu.memref_slice %arg8[%dma_start3A_664, %dma_start3A_674, %dma_start3A_675] : memref<5x8x128xf32, #tpu.memory_space<vmem>> -> memref<1x8x128xf32, #tpu.memory_space<vmem>>
      %dma_start3A_677 = tpu.memref_squeeze %dma_start3A_676 : memref<1x8x128xf32, #tpu.memory_space<vmem>> -> memref<8x128xf32, #tpu.memory_space<vmem>>
      tpu.enqueue_dma source(%dma_start3A_677 : memref<8x128xf32, #tpu.memory_space<vmem>>) target(%dma_start3A_673 : memref<8x128xf32, #tpu.memory_space<hbm>>) target_semaphore(%arg10 : memref<!tpu.dma_semaphore, #tpu.memory_space<semaphore_mem>>)
    }
    %scan3A_179 = arith.constant 49 : i32
    %dma_wait3A = arith.constant 0 : i32
    %dma_wait3A_180 = arith.constant 0 : i32
    %dma_wait3A_181 = arith.constant 0 : i32
    %dma_wait3A_182 = arith.constant 0 : i32
    %dma_wait3A_183 = tpu.memref_slice %arg7[%dma_wait3A, %dma_wait3A_181, %dma_wait3A_182] : memref<5x8x128xf32, #tpu.memory_space<vmem>> -> memref<1x8x128xf32, #tpu.memory_space<vmem>>
    %dma_wait3A_184 = tpu.memref_squeeze %dma_wait3A_183 : memref<1x8x128xf32, #tpu.memory_space<vmem>> -> memref<8x128xf32, #tpu.memory_space<vmem>>
    %dma_wait3A_185 = arith.constant 0 : i32
    %dma_wait3A_186 = tpu.memref_slice %arg4[%dma_wait3A_180, %dma_wait3A_185, %mul3A_2] : memref<5x200x16384xf32, #tpu.memory_space<hbm>> -> memref<1x8x128xf32, #tpu.memory_space<hbm>>
    %dma_wait3A_187 = tpu.memref_squeeze %dma_wait3A_186 : memref<1x8x128xf32, #tpu.memory_space<hbm>> -> memref<8x128xf32, #tpu.memory_space<hbm>>
    %dma_wait3A_188 = arith.constant 0 : i32
    %dma_wait3A_189 = tpu.memref_slice %arg4[%dma_wait3A_180, %dma_wait3A_188, %mul3A_2] : memref<5x200x16384xf32, #tpu.memory_space<hbm>> -> memref<1x8x128xf32, #tpu.memory_space<hbm>>
    %dma_wait3A_190 = tpu.memref_squeeze %dma_wait3A_189 : memref<1x8x128xf32, #tpu.memory_space<hbm>> -> memref<8x128xf32, #tpu.memory_space<hbm>>
    %dma_wait3A_191 = arith.constant 0 : i32
    %dma_wait3A_192 = arith.constant 0 : i32
    %dma_wait3A_193 = tpu.memref_slice %arg7[%dma_wait3A, %dma_wait3A_191, %dma_wait3A_192] : memref<5x8x128xf32, #tpu.memory_space<vmem>> -> memref<1x8x128xf32, #tpu.memory_space<vmem>>
    %dma_wait3A_194 = tpu.memref_squeeze %dma_wait3A_193 : memref<1x8x128xf32, #tpu.memory_space<vmem>> -> memref<8x128xf32, #tpu.memory_space<vmem>>
    tpu.wait_dma2 semaphore(%arg9 : memref<!tpu.dma_semaphore, #tpu.memory_space<semaphore_mem>>) src(%dma_wait3A_194 : memref<8x128xf32, #tpu.memory_space<vmem>>) dst(%dma_wait3A_190 : memref<8x128xf32, #tpu.memory_space<hbm>>)
    %dma_wait3A_195 = arith.constant 1 : i32
    %dma_wait3A_196 = arith.constant 1 : i32
    %dma_wait3A_197 = arith.constant 0 : i32
    %dma_wait3A_198 = arith.constant 0 : i32
    %dma_wait3A_199 = tpu.memref_slice %arg7[%dma_wait3A_195, %dma_wait3A_197, %dma_wait3A_198] : memref<5x8x128xf32, #tpu.memory_space<vmem>> -> memref<1x8x128xf32, #tpu.memory_space<vmem>>
    %dma_wait3A_200 = tpu.memref_squeeze %dma_wait3A_199 : memref<1x8x128xf32, #tpu.memory_space<vmem>> -> memref<8x128xf32, #tpu.memory_space<vmem>>
    %dma_wait3A_201 = arith.constant 0 : i32
    %dma_wait3A_202 = tpu.memref_slice %arg4[%dma_wait3A_196, %dma_wait3A_201, %mul3A_2] : memref<5x200x16384xf32, #tpu.memory_space<hbm>> -> memref<1x8x128xf32, #tpu.memory_space<hbm>>
    %dma_wait3A_203 = tpu.memref_squeeze %dma_wait3A_202 : memref<1x8x128xf32, #tpu.memory_space<hbm>> -> memref<8x128xf32, #tpu.memory_space<hbm>>
    %dma_wait3A_204 = arith.constant 0 : i32
    %dma_wait3A_205 = tpu.memref_slice %arg4[%dma_wait3A_196, %dma_wait3A_204, %mul3A_2] : memref<5x200x16384xf32, #tpu.memory_space<hbm>> -> memref<1x8x128xf32, #tpu.memory_space<hbm>>
    %dma_wait3A_206 = tpu.memref_squeeze %dma_wait3A_205 : memref<1x8x128xf32, #tpu.memory_space<hbm>> -> memref<8x128xf32, #tpu.memory_space<hbm>>
    %dma_wait3A_207 = arith.constant 0 : i32
    %dma_wait3A_208 = arith.constant 0 : i32
    %dma_wait3A_209 = tpu.memref_slice %arg7[%dma_wait3A_195, %dma_wait3A_207, %dma_wait3A_208] : memref<5x8x128xf32, #tpu.memory_space<vmem>> -> memref<1x8x128xf32, #tpu.memory_space<vmem>>
    %dma_wait3A_210 = tpu.memref_squeeze %dma_wait3A_209 : memref<1x8x128xf32, #tpu.memory_space<vmem>> -> memref<8x128xf32, #tpu.memory_space<vmem>>
    tpu.wait_dma2 semaphore(%arg9 : memref<!tpu.dma_semaphore, #tpu.memory_space<semaphore_mem>>) src(%dma_wait3A_210 : memref<8x128xf32, #tpu.memory_space<vmem>>) dst(%dma_wait3A_206 : memref<8x128xf32, #tpu.memory_space<hbm>>)
    %dma_wait3A_211 = arith.constant 2 : i32
    %dma_wait3A_212 = arith.constant 2 : i32
    %dma_wait3A_213 = arith.constant 0 : i32
    %dma_wait3A_214 = arith.constant 0 : i32
    %dma_wait3A_215 = tpu.memref_slice %arg7[%dma_wait3A_211, %dma_wait3A_213, %dma_wait3A_214] : memref<5x8x128xf32, #tpu.memory_space<vmem>> -> memref<1x8x128xf32, #tpu.memory_space<vmem>>
    %dma_wait3A_216 = tpu.memref_squeeze %dma_wait3A_215 : memref<1x8x128xf32, #tpu.memory_space<vmem>> -> memref<8x128xf32, #tpu.memory_space<vmem>>
    %dma_wait3A_217 = arith.constant 0 : i32
    %dma_wait3A_218 = tpu.memref_slice %arg4[%dma_wait3A_212, %dma_wait3A_217, %mul3A_2] : memref<5x200x16384xf32, #tpu.memory_space<hbm>> -> memref<1x8x128xf32, #tpu.memory_space<hbm>>
    %dma_wait3A_219 = tpu.memref_squeeze %dma_wait3A_218 : memref<1x8x128xf32, #tpu.memory_space<hbm>> -> memref<8x128xf32, #tpu.memory_space<hbm>>
    %dma_wait3A_220 = arith.constant 0 : i32
    %dma_wait3A_221 = tpu.memref_slice %arg4[%dma_wait3A_212, %dma_wait3A_220, %mul3A_2] : memref<5x200x16384xf32, #tpu.memory_space<hbm>> -> memref<1x8x128xf32, #tpu.memory_space<hbm>>
    %dma_wait3A_222 = tpu.memref_squeeze %dma_wait3A_221 : memref<1x8x128xf32, #tpu.memory_space<hbm>> -> memref<8x128xf32, #tpu.memory_space<hbm>>
    %dma_wait3A_223 = arith.constant 0 : i32
    %dma_wait3A_224 = arith.constant 0 : i32
    %dma_wait3A_225 = tpu.memref_slice %arg7[%dma_wait3A_211, %dma_wait3A_223, %dma_wait3A_224] : memref<5x8x128xf32, #tpu.memory_space<vmem>> -> memref<1x8x128xf32, #tpu.memory_space<vmem>>
    %dma_wait3A_226 = tpu.memref_squeeze %dma_wait3A_225 : memref<1x8x128xf32, #tpu.memory_space<vmem>> -> memref<8x128xf32, #tpu.memory_space<vmem>>
    tpu.wait_dma2 semaphore(%arg9 : memref<!tpu.dma_semaphore, #tpu.memory_space<semaphore_mem>>) src(%dma_wait3A_226 : memref<8x128xf32, #tpu.memory_space<vmem>>) dst(%dma_wait3A_222 : memref<8x128xf32, #tpu.memory_space<hbm>>)
    %dma_wait3A_227 = arith.constant 3 : i32
    %dma_wait3A_228 = arith.constant 3 : i32
    %dma_wait3A_229 = arith.constant 0 : i32
    %dma_wait3A_230 = arith.constant 0 : i32
    %dma_wait3A_231 = tpu.memref_slice %arg7[%dma_wait3A_227, %dma_wait3A_229, %dma_wait3A_230] : memref<5x8x128xf32, #tpu.memory_space<vmem>> -> memref<1x8x128xf32, #tpu.memory_space<vmem>>
    %dma_wait3A_232 = tpu.memref_squeeze %dma_wait3A_231 : memref<1x8x128xf32, #tpu.memory_space<vmem>> -> memref<8x128xf32, #tpu.memory_space<vmem>>
    %dma_wait3A_233 = arith.constant 0 : i32
    %dma_wait3A_234 = tpu.memref_slice %arg4[%dma_wait3A_228, %dma_wait3A_233, %mul3A_2] : memref<5x200x16384xf32, #tpu.memory_space<hbm>> -> memref<1x8x128xf32, #tpu.memory_space<hbm>>
    %dma_wait3A_235 = tpu.memref_squeeze %dma_wait3A_234 : memref<1x8x128xf32, #tpu.memory_space<hbm>> -> memref<8x128xf32, #tpu.memory_space<hbm>>
    %dma_wait3A_236 = arith.constant 0 : i32
    %dma_wait3A_237 = tpu.memref_slice %arg4[%dma_wait3A_228, %dma_wait3A_236, %mul3A_2] : memref<5x200x16384xf32, #tpu.memory_space<hbm>> -> memref<1x8x128xf32, #tpu.memory_space<hbm>>
    %dma_wait3A_238 = tpu.memref_squeeze %dma_wait3A_237 : memref<1x8x128xf32, #tpu.memory_space<hbm>> -> memref<8x128xf32, #tpu.memory_space<hbm>>
    %dma_wait3A_239 = arith.constant 0 : i32
    %dma_wait3A_240 = arith.constant 0 : i32
    %dma_wait3A_241 = tpu.memref_slice %arg7[%dma_wait3A_227, %dma_wait3A_239, %dma_wait3A_240] : memref<5x8x128xf32, #tpu.memory_space<vmem>> -> memref<1x8x128xf32, #tpu.memory_space<vmem>>
    %dma_wait3A_242 = tpu.memref_squeeze %dma_wait3A_241 : memref<1x8x128xf32, #tpu.memory_space<vmem>> -> memref<8x128xf32, #tpu.memory_space<vmem>>
    tpu.wait_dma2 semaphore(%arg9 : memref<!tpu.dma_semaphore, #tpu.memory_space<semaphore_mem>>) src(%dma_wait3A_242 : memref<8x128xf32, #tpu.memory_space<vmem>>) dst(%dma_wait3A_238 : memref<8x128xf32, #tpu.memory_space<hbm>>)
    %dma_wait3A_243 = arith.constant 4 : i32
    %dma_wait3A_244 = arith.constant 4 : i32
    %dma_wait3A_245 = arith.constant 0 : i32
    %dma_wait3A_246 = arith.constant 0 : i32
    %dma_wait3A_247 = tpu.memref_slice %arg7[%dma_wait3A_243, %dma_wait3A_245, %dma_wait3A_246] : memref<5x8x128xf32, #tpu.memory_space<vmem>> -> memref<1x8x128xf32, #tpu.memory_space<vmem>>
    %dma_wait3A_248 = tpu.memref_squeeze %dma_wait3A_247 : memref<1x8x128xf32, #tpu.memory_space<vmem>> -> memref<8x128xf32, #tpu.memory_space<vmem>>
    %dma_wait3A_249 = arith.constant 0 : i32
    %dma_wait3A_250 = tpu.memref_slice %arg4[%dma_wait3A_244, %dma_wait3A_249, %mul3A_2] : memref<5x200x16384xf32, #tpu.memory_space<hbm>> -> memref<1x8x128xf32, #tpu.memory_space<hbm>>
    %dma_wait3A_251 = tpu.memref_squeeze %dma_wait3A_250 : memref<1x8x128xf32, #tpu.memory_space<hbm>> -> memref<8x128xf32, #tpu.memory_space<hbm>>
    %dma_wait3A_252 = arith.constant 0 : i32
    %dma_wait3A_253 = tpu.memref_slice %arg4[%dma_wait3A_244, %dma_wait3A_252, %mul3A_2] : memref<5x200x16384xf32, #tpu.memory_space<hbm>> -> memref<1x8x128xf32, #tpu.memory_space<hbm>>
    %dma_wait3A_254 = tpu.memref_squeeze %dma_wait3A_253 : memref<1x8x128xf32, #tpu.memory_space<hbm>> -> memref<8x128xf32, #tpu.memory_space<hbm>>
    %dma_wait3A_255 = arith.constant 0 : i32
    %dma_wait3A_256 = arith.constant 0 : i32
    %dma_wait3A_257 = tpu.memref_slice %arg7[%dma_wait3A_243, %dma_wait3A_255, %dma_wait3A_256] : memref<5x8x128xf32, #tpu.memory_space<vmem>> -> memref<1x8x128xf32, #tpu.memory_space<vmem>>
    %dma_wait3A_258 = tpu.memref_squeeze %dma_wait3A_257 : memref<1x8x128xf32, #tpu.memory_space<vmem>> -> memref<8x128xf32, #tpu.memory_space<vmem>>
    tpu.wait_dma2 semaphore(%arg9 : memref<!tpu.dma_semaphore, #tpu.memory_space<semaphore_mem>>) src(%dma_wait3A_258 : memref<8x128xf32, #tpu.memory_space<vmem>>) dst(%dma_wait3A_254 : memref<8x128xf32, #tpu.memory_space<hbm>>)
    %dma_wait3A_259 = arith.constant 0 : i32
    %dma_wait3A_260 = arith.constant 0 : i32
    %dma_wait3A_261 = arith.constant 0 : i32
    %dma_wait3A_262 = arith.constant 0 : i32
    %dma_wait3A_263 = tpu.memref_slice %arg8[%dma_wait3A_259, %dma_wait3A_261, %dma_wait3A_262] : memref<5x8x128xf32, #tpu.memory_space<vmem>> -> memref<1x8x128xf32, #tpu.memory_space<vmem>>
    %dma_wait3A_264 = tpu.memref_squeeze %dma_wait3A_263 : memref<1x8x128xf32, #tpu.memory_space<vmem>> -> memref<8x128xf32, #tpu.memory_space<vmem>>
    %dma_wait3A_265 = arith.constant 0 : i32
    %dma_wait3A_266 = tpu.memref_slice %arg4[%dma_wait3A_260, %dma_wait3A_265, %mul3A_2] : memref<5x200x16384xf32, #tpu.memory_space<hbm>> -> memref<1x8x128xf32, #tpu.memory_space<hbm>>
    %dma_wait3A_267 = tpu.memref_squeeze %dma_wait3A_266 : memref<1x8x128xf32, #tpu.memory_space<hbm>> -> memref<8x128xf32, #tpu.memory_space<hbm>>
    %dma_wait3A_268 = arith.constant 0 : i32
    %dma_wait3A_269 = tpu.memref_slice %arg4[%dma_wait3A_260, %dma_wait3A_268, %mul3A_2] : memref<5x200x16384xf32, #tpu.memory_space<hbm>> -> memref<1x8x128xf32, #tpu.memory_space<hbm>>
    %dma_wait3A_270 = tpu.memref_squeeze %dma_wait3A_269 : memref<1x8x128xf32, #tpu.memory_space<hbm>> -> memref<8x128xf32, #tpu.memory_space<hbm>>
    %dma_wait3A_271 = arith.constant 0 : i32
    %dma_wait3A_272 = arith.constant 0 : i32
    %dma_wait3A_273 = tpu.memref_slice %arg8[%dma_wait3A_259, %dma_wait3A_271, %dma_wait3A_272] : memref<5x8x128xf32, #tpu.memory_space<vmem>> -> memref<1x8x128xf32, #tpu.memory_space<vmem>>
    %dma_wait3A_274 = tpu.memref_squeeze %dma_wait3A_273 : memref<1x8x128xf32, #tpu.memory_space<vmem>> -> memref<8x128xf32, #tpu.memory_space<vmem>>
    tpu.wait_dma2 semaphore(%arg10 : memref<!tpu.dma_semaphore, #tpu.memory_space<semaphore_mem>>) src(%dma_wait3A_274 : memref<8x128xf32, #tpu.memory_space<vmem>>) dst(%dma_wait3A_270 : memref<8x128xf32, #tpu.memory_space<hbm>>)
    %dma_wait3A_275 = arith.constant 1 : i32
    %dma_wait3A_276 = arith.constant 1 : i32
    %dma_wait3A_277 = arith.constant 0 : i32
    %dma_wait3A_278 = arith.constant 0 : i32
    %dma_wait3A_279 = tpu.memref_slice %arg8[%dma_wait3A_275, %dma_wait3A_277, %dma_wait3A_278] : memref<5x8x128xf32, #tpu.memory_space<vmem>> -> memref<1x8x128xf32, #tpu.memory_space<vmem>>
    %dma_wait3A_280 = tpu.memref_squeeze %dma_wait3A_279 : memref<1x8x128xf32, #tpu.memory_space<vmem>> -> memref<8x128xf32, #tpu.memory_space<vmem>>
    %dma_wait3A_281 = arith.constant 0 : i32
    %dma_wait3A_282 = tpu.memref_slice %arg4[%dma_wait3A_276, %dma_wait3A_281, %mul3A_2] : memref<5x200x16384xf32, #tpu.memory_space<hbm>> -> memref<1x8x128xf32, #tpu.memory_space<hbm>>
    %dma_wait3A_283 = tpu.memref_squeeze %dma_wait3A_282 : memref<1x8x128xf32, #tpu.memory_space<hbm>> -> memref<8x128xf32, #tpu.memory_space<hbm>>
    %dma_wait3A_284 = arith.constant 0 : i32
    %dma_wait3A_285 = tpu.memref_slice %arg4[%dma_wait3A_276, %dma_wait3A_284, %mul3A_2] : memref<5x200x16384xf32, #tpu.memory_space<hbm>> -> memref<1x8x128xf32, #tpu.memory_space<hbm>>
    %dma_wait3A_286 = tpu.memref_squeeze %dma_wait3A_285 : memref<1x8x128xf32, #tpu.memory_space<hbm>> -> memref<8x128xf32, #tpu.memory_space<hbm>>
    %dma_wait3A_287 = arith.constant 0 : i32
    %dma_wait3A_288 = arith.constant 0 : i32
    %dma_wait3A_289 = tpu.memref_slice %arg8[%dma_wait3A_275, %dma_wait3A_287, %dma_wait3A_288] : memref<5x8x128xf32, #tpu.memory_space<vmem>> -> memref<1x8x128xf32, #tpu.memory_space<vmem>>
    %dma_wait3A_290 = tpu.memref_squeeze %dma_wait3A_289 : memref<1x8x128xf32, #tpu.memory_space<vmem>> -> memref<8x128xf32, #tpu.memory_space<vmem>>
    tpu.wait_dma2 semaphore(%arg10 : memref<!tpu.dma_semaphore, #tpu.memory_space<semaphore_mem>>) src(%dma_wait3A_290 : memref<8x128xf32, #tpu.memory_space<vmem>>) dst(%dma_wait3A_286 : memref<8x128xf32, #tpu.memory_space<hbm>>)
    %dma_wait3A_291 = arith.constant 2 : i32
    %dma_wait3A_292 = arith.constant 2 : i32
    %dma_wait3A_293 = arith.constant 0 : i32
    %dma_wait3A_294 = arith.constant 0 : i32
    %dma_wait3A_295 = tpu.memref_slice %arg8[%dma_wait3A_291, %dma_wait3A_293, %dma_wait3A_294] : memref<5x8x128xf32, #tpu.memory_space<vmem>> -> memref<1x8x128xf32, #tpu.memory_space<vmem>>
    %dma_wait3A_296 = tpu.memref_squeeze %dma_wait3A_295 : memref<1x8x128xf32, #tpu.memory_space<vmem>> -> memref<8x128xf32, #tpu.memory_space<vmem>>
    %dma_wait3A_297 = arith.constant 0 : i32
    %dma_wait3A_298 = tpu.memref_slice %arg4[%dma_wait3A_292, %dma_wait3A_297, %mul3A_2] : memref<5x200x16384xf32, #tpu.memory_space<hbm>> -> memref<1x8x128xf32, #tpu.memory_space<hbm>>
    %dma_wait3A_299 = tpu.memref_squeeze %dma_wait3A_298 : memref<1x8x128xf32, #tpu.memory_space<hbm>> -> memref<8x128xf32, #tpu.memory_space<hbm>>
    %dma_wait3A_300 = arith.constant 0 : i32
    %dma_wait3A_301 = tpu.memref_slice %arg4[%dma_wait3A_292, %dma_wait3A_300, %mul3A_2] : memref<5x200x16384xf32, #tpu.memory_space<hbm>> -> memref<1x8x128xf32, #tpu.memory_space<hbm>>
    %dma_wait3A_302 = tpu.memref_squeeze %dma_wait3A_301 : memref<1x8x128xf32, #tpu.memory_space<hbm>> -> memref<8x128xf32, #tpu.memory_space<hbm>>
    %dma_wait3A_303 = arith.constant 0 : i32
    %dma_wait3A_304 = arith.constant 0 : i32
    %dma_wait3A_305 = tpu.memref_slice %arg8[%dma_wait3A_291, %dma_wait3A_303, %dma_wait3A_304] : memref<5x8x128xf32, #tpu.memory_space<vmem>> -> memref<1x8x128xf32, #tpu.memory_space<vmem>>
    %dma_wait3A_306 = tpu.memref_squeeze %dma_wait3A_305 : memref<1x8x128xf32, #tpu.memory_space<vmem>> -> memref<8x128xf32, #tpu.memory_space<vmem>>
    tpu.wait_dma2 semaphore(%arg10 : memref<!tpu.dma_semaphore, #tpu.memory_space<semaphore_mem>>) src(%dma_wait3A_306 : memref<8x128xf32, #tpu.memory_space<vmem>>) dst(%dma_wait3A_302 : memref<8x128xf32, #tpu.memory_space<hbm>>)
    %dma_wait3A_307 = arith.constant 3 : i32
    %dma_wait3A_308 = arith.constant 3 : i32
    %dma_wait3A_309 = arith.constant 0 : i32
    %dma_wait3A_310 = arith.constant 0 : i32
    %dma_wait3A_311 = tpu.memref_slice %arg8[%dma_wait3A_307, %dma_wait3A_309, %dma_wait3A_310] : memref<5x8x128xf32, #tpu.memory_space<vmem>> -> memref<1x8x128xf32, #tpu.memory_space<vmem>>
    %dma_wait3A_312 = tpu.memref_squeeze %dma_wait3A_311 : memref<1x8x128xf32, #tpu.memory_space<vmem>> -> memref<8x128xf32, #tpu.memory_space<vmem>>
    %dma_wait3A_313 = arith.constant 0 : i32
    %dma_wait3A_314 = tpu.memref_slice %arg4[%dma_wait3A_308, %dma_wait3A_313, %mul3A_2] : memref<5x200x16384xf32, #tpu.memory_space<hbm>> -> memref<1x8x128xf32, #tpu.memory_space<hbm>>
    %dma_wait3A_315 = tpu.memref_squeeze %dma_wait3A_314 : memref<1x8x128xf32, #tpu.memory_space<hbm>> -> memref<8x128xf32, #tpu.memory_space<hbm>>
    %dma_wait3A_316 = arith.constant 0 : i32
    %dma_wait3A_317 = tpu.memref_slice %arg4[%dma_wait3A_308, %dma_wait3A_316, %mul3A_2] : memref<5x200x16384xf32, #tpu.memory_space<hbm>> -> memref<1x8x128xf32, #tpu.memory_space<hbm>>
    %dma_wait3A_318 = tpu.memref_squeeze %dma_wait3A_317 : memref<1x8x128xf32, #tpu.memory_space<hbm>> -> memref<8x128xf32, #tpu.memory_space<hbm>>
    %dma_wait3A_319 = arith.constant 0 : i32
    %dma_wait3A_320 = arith.constant 0 : i32
    %dma_wait3A_321 = tpu.memref_slice %arg8[%dma_wait3A_307, %dma_wait3A_319, %dma_wait3A_320] : memref<5x8x128xf32, #tpu.memory_space<vmem>> -> memref<1x8x128xf32, #tpu.memory_space<vmem>>
    %dma_wait3A_322 = tpu.memref_squeeze %dma_wait3A_321 : memref<1x8x128xf32, #tpu.memory_space<vmem>> -> memref<8x128xf32, #tpu.memory_space<vmem>>
    tpu.wait_dma2 semaphore(%arg10 : memref<!tpu.dma_semaphore, #tpu.memory_space<semaphore_mem>>) src(%dma_wait3A_322 : memref<8x128xf32, #tpu.memory_space<vmem>>) dst(%dma_wait3A_318 : memref<8x128xf32, #tpu.memory_space<hbm>>)
    %dma_wait3A_323 = arith.constant 4 : i32
    %dma_wait3A_324 = arith.constant 4 : i32
    %dma_wait3A_325 = arith.constant 0 : i32
    %dma_wait3A_326 = arith.constant 0 : i32
    %dma_wait3A_327 = tpu.memref_slice %arg8[%dma_wait3A_323, %dma_wait3A_325, %dma_wait3A_326] : memref<5x8x128xf32, #tpu.memory_space<vmem>> -> memref<1x8x128xf32, #tpu.memory_space<vmem>>
    %dma_wait3A_328 = tpu.memref_squeeze %dma_wait3A_327 : memref<1x8x128xf32, #tpu.memory_space<vmem>> -> memref<8x128xf32, #tpu.memory_space<vmem>>
    %dma_wait3A_329 = arith.constant 0 : i32
    %dma_wait3A_330 = tpu.memref_slice %arg4[%dma_wait3A_324, %dma_wait3A_329, %mul3A_2] : memref<5x200x16384xf32, #tpu.memory_space<hbm>> -> memref<1x8x128xf32, #tpu.memory_space<hbm>>
    %dma_wait3A_331 = tpu.memref_squeeze %dma_wait3A_330 : memref<1x8x128xf32, #tpu.memory_space<hbm>> -> memref<8x128xf32, #tpu.memory_space<hbm>>
    %dma_wait3A_332 = arith.constant 0 : i32
    %dma_wait3A_333 = tpu.memref_slice %arg4[%dma_wait3A_324, %dma_wait3A_332, %mul3A_2] : memref<5x200x16384xf32, #tpu.memory_space<hbm>> -> memref<1x8x128xf32, #tpu.memory_space<hbm>>
    %dma_wait3A_334 = tpu.memref_squeeze %dma_wait3A_333 : memref<1x8x128xf32, #tpu.memory_space<hbm>> -> memref<8x128xf32, #tpu.memory_space<hbm>>
    %dma_wait3A_335 = arith.constant 0 : i32
    %dma_wait3A_336 = arith.constant 0 : i32
    %dma_wait3A_337 = tpu.memref_slice %arg8[%dma_wait3A_323, %dma_wait3A_335, %dma_wait3A_336] : memref<5x8x128xf32, #tpu.memory_space<vmem>> -> memref<1x8x128xf32, #tpu.memory_space<vmem>>
    %dma_wait3A_338 = tpu.memref_squeeze %dma_wait3A_337 : memref<1x8x128xf32, #tpu.memory_space<vmem>> -> memref<8x128xf32, #tpu.memory_space<vmem>>
    tpu.wait_dma2 semaphore(%arg10 : memref<!tpu.dma_semaphore, #tpu.memory_space<semaphore_mem>>) src(%dma_wait3A_338 : memref<8x128xf32, #tpu.memory_space<vmem>>) dst(%dma_wait3A_334 : memref<8x128xf32, #tpu.memory_space<hbm>>)
    return
  }
}

</mosaic_0001>

<sc_bundles>
// kernel: kernel.3.cloned.1.call-start
scs
__scs_entry_jumppad:
0x0: {  	(pc) =	sbr.rel $0x88, $3  }
0x1: {  	(tag) =	ssettag $0x0;
	lr =	simm.s32 $0x1  }
0x2: {  	[smem:$0x3F9F] =	sst lr;
	_ =	strace $0xD0000000  }
0x3: {  	_ = 	snop  }
0x4: {  	_ = 	snop  }
0x5: {  	_ = 	snop  }
0x6: {  	_ = 	snop  }
0x7: {  	_ = 	snop  }
__scs_overlays_trampoline_lowered:
0x8: {  	[smem:$0x3FAE] =	sst s0  }
0x9: {  	[smem:$0x3FAF] =	sst s1  }
0xa: {  	[smem:$0x3FB0] =	sst s2  }
0xb: {  	[smem:$0x3FB1] =	sst s3  }
0xc: {  	[smem:$0x3FB2] =	sst s4  }
0xd: {  	[smem:$0x3FB3] =	sst s5  }
0xe: {  	[smem:$0x3FB4] =	sst s6  }
0xf: {  	[smem:$0x3FB5] =	sst s7  }
0x10: {  	[smem:$0x3FB6] =	sst s8  }
0x11: {  	[smem:$0x3FB7] =	sst s9;
	s0 =	simm.s32 @!p0 $0x0  }
0x12: {  	s1 =	sld [smem:$0x3F9D];
	s0 =	simm.s32 @p0 $0x1  }
0x13: {  	[smem:$0x3FB8] =	sst s0;
	s0 =	simm.s32 @!p1 $0x0  }
0x14: {  	s2 =	sld [smem:$0x3F9C];
	s0 =	simm.s32 @p1 $0x1  }
0x15: {  	[smem:$0x3FB9] =	sst s0;
	s0 =	simm.s32 @!p2 $0x0  }
0x16: {  	s3 =	sld [smem:$0x3FDB];
	s0 =	simm.s32 @p2 $0x1  }
0x17: {  	s4 =	simm.s32 $0x1BF5;
	[smem:$0x3FBB] =	sst s0  }
0x18: {  	s0 =	sld [smem:$0x3F9E];
	_ =	swait.ge [sflag:s4], $0x0  }
0x19: {  	s7 =	sld [smem:$0x3F9F]  }
0x1a: {  	s8 =	sadd.s32 $0xFFFFE003, lr  }
0x1b: {  	s9 =	sadd.s32 $0xFFFFFEF7, lr;
	s5 =	simm.s32 $0xFFFFFFFF;
	p2 =	slt.u32 s8, $0xFFFFF086  }
0x1c: {  	p1 =	slt.u32 s9, $0xF7A;
	s5 =	simm.s32 @!p2 $0x0  }
0x1d: {  	s5 =	simm.s32 @p1 $0x1;
	p0 =	seq.s32 s7, s2  }
0x1e: {  	s7 =	smul.u32 @!p0 $0xF7A, s2;
	p2 =	seq.s32 @!p0 s5, $0x0  }
0x1f: {  	s9 =	smul.u32 $0xF7A, s1;
	s8 =	simm.s32 @!p0 $0x1BF5;
	p2 =	por !p2, p0  }
0x20: {  	[sflag:s8] =	ssyncset.s32 @!p0 $0xFFFFF086;
	s6 =	sadd.s32 @!p0 s3, s7;
	s7 =	simm.s32 @!p0 $0x108  }
0x21: {  	s3 =	sadd.s32 s3, s9;
	s6 =	sadd.s32 @!p0 $0x88, s6;
	s7 =	simm.s32 @p2 $0x1082  }
0x22: {  	[simem:s7], [sflag:s8] =	dma.local @!p0 [hbm:s6], $0xF7A  }
0x23: {  	s9 =	sor.u32 $0xD0000000, s2;
	s6 =	simm.s32 $0x108;
	_ =	swait.ge @!p0 [sflag:s8], $0x0  }
0x24: {  	s3 =	sadd.s32 $0x88, s3;
	s6 =	simm.s32 @!p1 $0x1082;
	[sflag:s4] =	ssyncset.s32 $0xFFFFF086  }
0x25: {  	[simem:s6], [sflag:s4] =	dma.local [hbm:s3], $0xF7A  }
0x26: {  	[smem:$0x3F9F] =	sst s1;
	(tag) =	ssettag s2;
	_ =	strace s9  }
0x27: {  	s1 =	sld [smem:$0x3FAF]  }
0x28: {  	s2 =	sld [smem:$0x3FB0]  }
0x29: {  	s4 =	sld [smem:$0x3FB2]  }
0x2a: {  	p0 =	seq.s32 s5, $0x0;
	s5 =	sld [smem:$0x3FB3]  }
0x2b: {  	s6 =	sld [smem:$0x3FB4]  }
0x2c: {  	s7 =	sld [smem:$0x3FB5]  }
0x2d: {  	s3 =	simm.s32 $0x108;
	s8 =	sld [smem:$0x3FB6]  }
0x2e: {  	s3 =	simm.s32 @!p0 $0x1082;
	s9 =	sld [smem:$0x3FB7]  }
0x2f: {  	lr =	sadd.s32 s0, s3;
	s0 =	sld [smem:$0x3FAE]  }
0x30: {  	s3 =	sld [smem:$0x3FB1]  }
0x31: {  	[smem:$0x3FBA] =	sst s10  }
0x32: {  	s10 =	sld [smem:$0x3FB8];
	_ =	sdelay $0x3  }
0x33: {  	p0 =	seq.s32 s10, $0x1;
	s10 =	sld [smem:$0x3FBA];
	_ =	sdelay $0x3  }
0x34: {  	[smem:$0x3FBA] =	sst s10  }
0x35: {  	s10 =	sld [smem:$0x3FB9];
	_ =	sdelay $0x3  }
0x36: {  	p1 =	seq.s32 s10, $0x1;
	s10 =	sld [smem:$0x3FBA];
	_ =	sdelay $0x3  }
0x37: {  	[smem:$0x3FBA] =	sst s10  }
0x38: {  	s10 =	sld [smem:$0x3FBB]  }
0x39: {  	_ = 	snop;
	(pc) =	sbr.ind lr, $3  }
0x3a: {  	_ = 	snop  }
0x3b: {  	_ = 	snop  }
0x3c: {  	p2 =	seq.s32 s10, $0x1;
	s10 =	sld [smem:$0x3FBA]  }
0x3d: {  	_ =	shalt  }
0x3e: {  	_ =	shalt  }
0x3f: {  	_ =	shalt  }
0x40: {  	_ =	shalt  }
0x41: {  	_ =	shalt  }
0x42: {  	_ =	shalt  }
0x43: {  	_ =	shalt  }
0x44: {  	_ =	shalt  }
0x45: {  	_ =	shalt  }
0x46: {  	_ =	shalt  }
0x47: {  	_ =	shalt  }
0x48: {  	_ =	shalt  }
0x49: {  	_ =	shalt  }
0x4a: {  	_ =	shalt  }
0x4b: {  	_ =	shalt  }
0x4c: {  	_ =	shalt  }
0x4d: {  	_ =	shalt  }
0x4e: {  	_ =	shalt  }
0x4f: {  	_ =	shalt  }
0x50: {  	_ =	shalt  }
0x51: {  	_ =	shalt  }
0x52: {  	_ =	shalt  }
0x53: {  	_ =	shalt  }
0x54: {  	_ =	shalt  }
0x55: {  	_ =	shalt  }
0x56: {  	_ =	shalt  }
0x57: {  	_ =	shalt  }
0x58: {  	_ =	shalt  }
0x59: {  	_ =	shalt  }
0x5a: {  	_ =	shalt  }
0x5b: {  	_ =	shalt  }
0x5c: {  	_ =	shalt  }
0x5d: {  	_ =	shalt  }
0x5e: {  	_ =	shalt  }
0x5f: {  	_ =	shalt  }
0x60: {  	_ =	shalt  }
0x61: {  	_ =	shalt  }
0x62: {  	_ =	shalt  }
0x63: {  	_ =	shalt  }
0x64: {  	_ =	shalt  }
0x65: {  	_ =	shalt  }
0x66: {  	_ =	shalt  }
0x67: {  	_ =	shalt  }
0x68: {  	_ =	shalt  }
0x69: {  	_ =	shalt  }
0x6a: {  	_ =	shalt  }
0x6b: {  	_ =	shalt  }
0x6c: {  	_ =	shalt  }
0x6d: {  	_ =	shalt  }
0x6e: {  	_ =	shalt  }
0x6f: {  	_ =	shalt  }
0x70: {  	_ =	shalt  }
0x71: {  	_ =	shalt  }
0x72: {  	_ =	shalt  }
0x73: {  	_ =	shalt  }
0x74: {  	_ =	shalt  }
0x75: {  	_ =	shalt  }
0x76: {  	_ =	shalt  }
0x77: {  	_ =	shalt  }
0x78: {  	_ =	shalt  }
0x79: {  	_ =	shalt  }
0x7a: {  	_ =	shalt  }
0x7b: {  	_ =	shalt  }
0x7c: {  	_ =	shalt  }
0x7d: {  	_ =	shalt  }
0x7e: {  	_ =	shalt  }
0x7f: {  	_ =	shalt  }
0x80: {  	_ =	shalt  }
0x81: {  	_ =	shalt  }
0x82: {  	_ =	shalt  }
0x83: {  	_ =	shalt  }
0x84: {  	_ =	shalt  }
0x85: {  	_ =	shalt  }
0x86: {  	_ =	shalt  }
0x87: {  	_ =	shalt  }
.Lfunc_end0:
.L_simem_size_0:
called_computation_lowered:
.L_overlay_start_0:
0x88: {  	s2 =	sld [smem:$0x3FD9]  }
0x89: {  	s3 =	sld [smem:$0x3FFE];
	_ =	sdelay $0x1  }
0x8a: {  	s1 =	srdreg.scid  }
0x8b: {  	s0 =	sand.u32 $0x1, s1  }
0x8c: {  	s17 =	sshll.u32 s0, $0xA;
	s2 =	sadd.s32 s3, s2  }
0x8d: {  	s2 =	sadd.s32 s2, s17  }
0x8e: {  	[smem:$0x3FC6] =	sst s2  }
0x8f: {  	_ = 	snop  }
0x90: {  	s2 =	sld [smem:$0x3FC9]  }
0x91: {  	s18 =	sld [smem:$0x3FD0];
	(tm) =	ssettm $0x1  }
0x92: {  	s4 =	sld [smem:$0x3FFB];
	_ =	sdelay $0x3  }
0x93: {  	_ =	strace s4  }
0x94: {  	s4 =	sld [smem:$0x3FFC];
	_ =	sdelay $0x3  }
0x95: {  	_ =	strace s4  }
0x96: {  	s4 =	sld [smem:$0x3FFD];
	_ =	sdelay $0x3  }
0x97: {  	_ =	strace s4  }
0x98: {  	_ =	strace $0x8FFFFFFF  }
0x99: {  	s19 =	sld [smem:$0x3FDB];
	_ =	sdelay $0x1  }
0x9a: {  	s5 =	simm.s32 $_scs_section_size  }
0x9b: {  	s6 =	simm.s32 $_size__tile_overlayer_lowered;
	s7 =	simm.s32 $_tile_overlayer_lowered  }
0x9c: {  	s22 =	simm.s32 $0x1BFF;
	s21 =	sshll.u32 s7, $0x1;
	s4 =	sadd.s32 s5, s19  }
0x9d: {  	s8 =	simm.s32 $0x0;
	s20 =	sshll.u32 s6, $0x1;
	s6 =	sadd.s32 s21, s4  }
0x9e: {  	[timem:s8], [sflag:s22] =	dma.local [hbm:s6], s20  }
0x9f: {  	_ =	swait.ge [sflag:s22], s20  }
0xa0: {  	s5 =	ssub.s32 $0x0, s20;
	[sflag:s22] =	ssyncset.done $0x0  }
0xa1: {  	[sflag:s22] =	ssyncadd.s32 s5;
	_ =	sdelay $0x1  }
0xa2: {  	s23 =	simm.s32 $0x1B8B  }
0xa3: {  	_ =	swait.ge [sflag:s23], $0x1  }
0xa4: {  	[sflag:s23] =	ssyncset.done $0x0  }
0xa5: {  	s25 =	simm.s32 $0x1B8E;
	s24 =	sld [smem:$0x3FFE];
	[sflag:s23] =	ssyncadd.s32 $0xFFFFFFFF  }
0xa6: {  	s26 =	simm.s32 $execute0_lowered;
	[smem:$0x3FD2] =	sst s25  }
0xa7: {  	s6 =	sshll.u32 s26, $0x1;
	_ =	strace $0x80000046;
	[dreg:$0x1] =	wrdreg $0xFFFFFFFF  }
0xa8: {  	s28 =	simm.s32 $_size_execute0_lowered;
	s4 =	sadd.s32 s4, s6;
	[dreg:$0x0] =	wrdreg $0x0  }
0xa9: {  	s6 =	sshll.u32 s28, $0x1;
	[dreg:$0x2] =	wrdreg s4  }
0xaa: {  	[dreg:$0x3] =	wrdreg s6  }
0xab: {  	[dreg:$0x4] =	wrdreg $0xC0  }
0xac: {  	_ =	task [dreg:s8], $0x5FFFF  }
0xad: {  	[dreg:$0x1] =	wrdreg $0xFFFFFFFF  }
0xae: {  	[dreg:$0x0] =	wrdreg $0x60  }
0xaf: {  	[dreg:$0x2] =	wrdreg s2  }
0xb0: {  	[dreg:$0x3] =	wrdreg s24  }
0xb1: {  	[dreg:$0x4] =	wrdreg s18  }
0xb2: {  	[dreg:$0x5] =	wrdreg $0x9  }
0xb3: {  	_ =	task.clear_ibuf [dreg:s8], $0x6FFFF;
	_ =	strace $0x90000046  }
0xb4: {  	s29 =	simm.s32 $0x9;
	_ =	strace $0x80000048  }
0xb5: {  	_ =	swait.ge [sflag:s29], $0x1  }
0xb6: {  	[sflag:s29] =	ssyncadd.s32 $0xFFFFFFFF  }
0xb7: {  	_ =	strace $0x90000048  }
0xb8: {  	_ =	sfence  }
0xb9: {  	s30 =	sld [smem:$0x0];
	_ =	sdelay $0x2  }
0xba: {  	s31 =	sshll.u32 s1, $0xD;
	s1 =	sshrl.u32 s1, $0x2  }
0xbb: {  	s3 =	sand.u32 $0x4000, s31;
	s1 =	sadd.s32 s1, s30  }
0xbc: {  	s0 =	sor.u32 s3, s0;
	s1 =	sshll.u32 s1, $0x11  }
0xbd: {  	s0 =	sor.u32 s1, s0  }
0xbe: {  	s0 =	sadd.s32 $0x8F2B, s0  }
0xbf: {  	[sflag:s0] =	ssyncadd.remote.s32 $0x1  }
0xc0: {  	_ =	sfence.sel $0xFFFF  }
0xc1: {  	[dreg:$0x0] =	wrdreg $0xFFFFFFFF;
	(pc) =	sbr.abs _section_cstart, $3  }
0xc2: {  	[dreg:$0x1] =	wrdreg $0xFFFFFFFF  }
0xc3: {  	_ =	task.clear_ibuf [dreg:s8], $0x2FFFF;
	_ =	strace $0x9FFFFFFF  }
0xc4: {  	(tm) =	ssettm $0x7FFFFFFF  }
0xc5: {  	_ =	shalt  }
tec
execute0_lowered:
.L_overlay_start_1:
0x0: {  	(tag) =	ssettag $0x1  }
0x1: {  	s0 =	rddreg [dreg:$0x0]  }
0x2: {  	s1 =	rddreg [dreg:$0x1]  }
0x3: {  	s2 =	rddreg [dreg:$0x2];
	s4 =	srdreg.scid  }
0x4: {  	s3 =	simm.s32 $0x0;
	s5 =	stileid.u32;
	s18 =	simm.s32 $0x3  }
0x5: {  	s28 =	simm.s32 $0x1B800;
	s29 =	simm.s32 $0x1BC00;
	s30 =	simm.s32 $0x1C000  }
0x6: {  	s31 =	simm.s32 $0x1C400;
	s4 =	sand.u32 $0x1, s4;
	[smem:$0x7FF] =	sst s3  }
0x7: {  	s5 =	sshll.u32 s5, $0xA;
	s1 =	sadd.s32 $0x400, s1;
	s6 =	sshll.u32 s4, $0x9  }
0x8: {  	_ =	strace $0x80000047;
	s4 =	ssub.s32 $0x2, s4;
	s6 =	sor.u32 s6, s5  }
0x9: {  	[dreg:$0x4] =	wrdreg s1;
	s5 =	sadd.s32 s2, s6;
	s0 =	sadd.s32 s0, s6  }
0xa: {  	s19 =	sshrl.u32 s4, $0x1;
	[dreg:$0x5] =	wrdreg s0;
	s20 =	sadd.s32 $0x64000, s5  }
0xb: {  	s1 =	ssub.s32 s4, s19;
	s21 =	sadd.s32 $0xC8000, s5;
	[dreg:$0x6] =	wrdreg s20  }
0xc: {  	s16 =	sshll.u32 s6, $0x3;
	s22 =	sadd.s32 $0x12C000, s5;
	[dreg:$0x7] =	wrdreg s21  }
0xd: {  	s19 =	simm.s32 $0x2;
	s23 =	sadd.s32 $0x190000, s5;
	[dreg:$0x8] =	wrdreg s22  }
0xe: {  	s24 =	sadd.s32 $0x80, s5;
	s25 =	sadd.s32 $0x64080, s5;
	[dreg:$0x9] =	wrdreg s23  }
0xf: {  	s26 =	sadd.s32 $0xC8080, s5;
	s14 =	sadd.s32 $0x12C080, s5;
	[dreg:$0xa] =	wrdreg s24  }
0x10: {  	s15 =	sadd.s32 $0x190080, s5;
	s17 =	smax.u32 s1, $0x1;
	[dreg:$0xb] =	wrdreg s25  }
0x11: {  	s0 =	simm.s32 $0x1C800;
	s1 =	simm.s32 $0x1;
	[dreg:$0xc] =	wrdreg s26  }
0x12: {  	s22 =	simm.s32 $0x1A400;
	s23 =	simm.s32 $0x1A800;
	s24 =	simm.s32 $0x1AC00  }
0x13: {  	s25 =	simm.s32 $0x1B000;
	s26 =	simm.s32 $0x1B400;
	s20 =	simm.s32 $0x0  }
.LBB2_1:
0x14: {  	s4 =	rddreg [dreg:$0x4]  }
0x15: {  	[tilespmem:s3], [sflag:$0x3] =	stream.linear.gather [hbm4b:s4+s3], $0x1400, $0x38;
	[tilespmem:$0x1CC00] =	vst v63  }
0x16: {  	_ =	swait.ge [sflag:s18], $0x1400  }
0x17: {  	s6 =	simm.s32 $0x1000;
	s7 =	simm.s32 $0x20000;
	[sflag:s18] =	ssyncset.done $0x0  }
0x18: {  	s8 =	simm.s32 $0x1400;
	s13 =	rddreg [dreg:$0x5];
	[sflag:s18] =	ssyncadd.s32 $0xFFFFEC00  }
0x19: {  	[tilespmem:s8], [sflag:$0x3] =	stream.strided.gather [hbm4b:s13+s6], $0x19000, s7, s6, $0x38;
	[tilespmem:$0x1CC00] =	vst v63  }
0x1a: {  	_ =	swait.ge [sflag:s18], $0x19000  }
0x1b: {  	[sflag:s18] =	ssyncset.done $0x0  }
0x1c: {  	s21 =	simm.s32 $0x1440;
	[sflag:s18] =	ssyncadd.s32 $0xFFFE7000  }
0x1d: {  	v0 =	vld [tilespmem:s21+$0x30]  }
0x1e: {  	v1 =	vld [tilespmem:s21+$0xFFFFFFD0]  }
0x1f: {  	v2 =	vld [tilespmem:s21+$0xFFFFFFE0]  }
0x20: {  	v3 =	vld [tilespmem:s21+$0xFFFFFFF0]  }
0x21: {  	v4 =	vld [tilespmem:s21+$0x0]  }
0x22: {  	v5 =	vld [tilespmem:s21+$0x10]  }
0x23: {  	v6 =	vld [tilespmem:s21+$0x20]  }
0x24: {  	v7 =	vld [tilespmem:s21+$0xFFFFFFC0]  }
0x25: {  	v8 =	vld.idx.msk [tilespmem:v0+s3+$0x0], $0xffff  }
0x26: {  	v9 =	vld.idx.msk [tilespmem:v1+s3+$0x0], $0xffff  }
0x27: {  	v10 =	vld.idx.msk [tilespmem:v2+s3+$0x0], $0xffff  }
0x28: {  	v11 =	vadd.s32 $0x3E8, v0;
	v12 =	vld.idx.msk [tilespmem:v3+s3+$0x0], $0xffff  }
0x29: {  	v13 =	vadd.s32 $0x3E8, v1;
	v14 =	vld.idx.msk [tilespmem:v4+s3+$0x0], $0xffff  }
0x2a: {  	s4 =	simm.s32 $0x1AC40;
	v15 =	vadd.s32 $0x3E8, v2;
	v16 =	vld.idx.msk [tilespmem:v5+s3+$0x0], $0xffff  }
0x2b: {  	v17 =	vadd.s32 $0x3E8, v3;
	v18 =	vld.idx.msk [tilespmem:v6+s3+$0x0], $0xffff;
	[tilespmem:s4+$0xFFFFF830] =	vst v8  }
0x2c: {  	v36 =	vadd.s32 $0x3E8, v4;
	v19 =	vld.idx.msk [tilespmem:v7+s3+$0x0], $0xffff;
	[tilespmem:s4+$0xFFFFF7D0] =	vst v9  }
0x2d: {  	v38 =	vadd.s32 $0x3E8, v5;
	[tilespmem:s4+$0xFFFFF7E0] =	vst v10;
	v37 =	vld.idx.msk [tilespmem:v11+s3+$0x0], $0xffff  }
0x2e: {  	v41 =	vadd.s32 $0x3E8, v7;
	[tilespmem:s4+$0xFFFFF7F0] =	vst v12;
	v39 =	vld.idx.msk [tilespmem:v13+s3+$0x0], $0xffff  }
0x2f: {  	v42 =	vadd.s32 $0x3E8, v6;
	[tilespmem:s4+$0xFFFFF800] =	vst v14;
	v15 =	vld.idx.msk [tilespmem:v15+s3+$0x0], $0xffff  }
0x30: {  	v40 =	vadd.s32 $0x7D0, v0;
	[tilespmem:s4+$0xFFFFF810] =	vst v16;
	v17 =	vld.idx.msk [tilespmem:v17+s3+$0x0], $0xffff  }
0x31: {  	v43 =	vadd.s32 $0x7D0, v1;
	[tilespmem:s4+$0xFFFFF820] =	vst v18;
	v8 =	vld.idx.msk [tilespmem:v36+s3+$0x0], $0xffff  }
0x32: {  	v44 =	vadd.s32 $0x7D0, v2;
	[tilespmem:s4+$0xFFFFF7C0] =	vst v19;
	v11 =	vld.idx.msk [tilespmem:v38+s3+$0x0], $0xffff  }
0x33: {  	v45 =	vadd.s32 $0x7D0, v3;
	v13 =	vld.idx.msk [tilespmem:v41+s3+$0x0], $0xffff;
	[tilespmem:s4+$0xFFFFFC30] =	vst v37  }
0x34: {  	v46 =	vadd.s32 $0x7D0, v4;
	v47 =	vld.idx.msk [tilespmem:v42+s3+$0x0], $0xffff;
	[tilespmem:s4+$0xFFFFFBD0] =	vst v39  }
0x35: {  	v49 =	vadd.s32 $0x7D0, v7;
	[tilespmem:s4+$0xFFFFFBE0] =	vst v15;
	v12 =	vld.idx.msk [tilespmem:v40+s3+$0x0], $0xffff  }
0x36: {  	v50 =	vadd.s32 $0x7D0, v5;
	[tilespmem:s4+$0xFFFFFBF0] =	vst v17;
	v16 =	vld.idx.msk [tilespmem:v43+s3+$0x0], $0xffff  }
0x37: {  	v48 =	vadd.s32 $0xBB8, v0;
	[tilespmem:s4+$0xFFFFFC00] =	vst v8;
	v18 =	vld.idx.msk [tilespmem:v44+s3+$0x0], $0xffff  }
0x38: {  	v51 =	vadd.s32 $0x7D0, v6;
	[tilespmem:s4+$0xFFFFFC10] =	vst v11;
	v9 =	vld.idx.msk [tilespmem:v45+s3+$0x0], $0xffff  }
0x39: {  	v52 =	vadd.s32 $0xBB8, v1;
	[tilespmem:s4+$0xFFFFFBC0] =	vst v13;
	v19 =	vld.idx.msk [tilespmem:v46+s3+$0x0], $0xffff  }
0x3a: {  	v53 =	vadd.s32 $0xBB8, v2;
	[tilespmem:s4+$0xFFFFFC20] =	vst v47;
	v15 =	vld.idx.msk [tilespmem:v49+s3+$0x0], $0xffff  }
0x3b: {  	v55 =	vadd.s32 $0xBB8, v3;
	v56 =	vld.idx.msk [tilespmem:v50+s3+$0x0], $0xffff;
	[tilespmem:s4+$0x30] =	vst v12  }
0x3c: {  	v58 =	vadd.s32 $0xBB8, v4;
	[tilespmem:s4+$0xFFFFFFD0] =	vst v16;
	v54 =	vld.idx.msk [tilespmem:v48+s3+$0x0], $0xffff  }
0x3d: {  	v0 =	vadd.s32 $0xFA0, v0;
	v8 =	vld.idx.msk [tilespmem:v51+s3+$0x0], $0xffff;
	[tilespmem:s4+$0xFFFFFFE0] =	vst v18  }
0x3e: {  	v57 =	vadd.s32 $0xBB8, v7;
	[tilespmem:s4+$0xFFFFFFF0] =	vst v9;
	v11 =	vld.idx.msk [tilespmem:v52+s3+$0x0], $0xffff  }
0x3f: {  	v59 =	vadd.s32 $0xBB8, v5;
	[tilespmem:s4+$0x0] =	vst v19;
	v12 =	vld.idx.msk [tilespmem:v53+s3+$0x0], $0xffff  }
0x40: {  	v60 =	vadd.s32 $0xBB8, v6;
	[tilespmem:s4+$0xFFFFFFC0] =	vst v15;
	v14 =	vld.idx.msk [tilespmem:v55+s3+$0x0], $0xffff  }
0x41: {  	v1 =	vadd.s32 $0xFA0, v1;
	v61 =	vld.idx.msk [tilespmem:v58+s3+$0x0], $0xffff;
	[tilespmem:s4+$0x430] =	vst v54  }
0x42: {  	[tilespmem:s4+$0x10] =	vst v56;
	v13 =	vld.idx.msk [tilespmem:v0+s3+$0x0], $0xffff;
	v0 =	vadd.s32 $0xFA0, v2  }
0x43: {  	v3 =	vadd.s32 $0xFA0, v3;
	[tilespmem:s4+$0x20] =	vst v8;
	v2 =	vld.idx.msk [tilespmem:v57+s3+$0x0], $0xffff  }
0x44: {  	v4 =	vadd.s32 $0xFA0, v4;
	v62 =	vld.idx.msk [tilespmem:v59+s3+$0x0], $0xffff;
	[tilespmem:s4+$0x3D0] =	vst v11  }
0x45: {  	v7 =	vadd.s32 $0xFA0, v7;
	v63 =	vld.idx.msk [tilespmem:v60+s3+$0x0], $0xffff;
	[tilespmem:s4+$0x3E0] =	vst v12  }
0x46: {  	v5 =	vadd.s32 $0xFA0, v5;
	[tilespmem:s4+$0x3F0] =	vst v14;
	v11 =	vld.idx.msk [tilespmem:v1+s3+$0x0], $0xffff  }
0x47: {  	v6 =	vadd.s32 $0xFA0, v6;
	[tilespmem:s4+$0x400] =	vst v61;
	v0 =	vld.idx.msk [tilespmem:v0+s3+$0x0], $0xffff  }
0x48: {  	[tilespmem:s4+$0x3C0] =	vst v2;
	v2 =	vld.idx.msk [tilespmem:v3+s3+$0x0], $0xffff  }
0x49: {  	[tilespmem:s4+$0x410] =	vst v62;
	v3 =	vld.idx.msk [tilespmem:v4+s3+$0x0], $0xffff  }
0x4a: {  	[tilespmem:s4+$0x420] =	vst v63;
	v1 =	vld.idx.msk [tilespmem:v7+s3+$0x0], $0xffff  }
0x4b: {  	[tilespmem:s4+$0x830] =	vst v13;
	v4 =	vld.idx.msk [tilespmem:v5+s3+$0x0], $0xffff  }
0x4c: {  	s6 =	simm.s32 $0x0;
	s7 =	simm.s32 $0x14C0;
	[tilespmem:s4+$0x7D0] =	vst v11;
	v5 =	vld.idx.msk [tilespmem:v6+s3+$0x0], $0xffff  }
.LBB2_2:
0x4d: {  	v6 =	vld [tilespmem:s7+$0x30];
	s6 =	sadd.s32 $0x8, s6;
	[tilespmem:s4+$0x7E0] =	vst v0  }
0x4e: {  	v0 =	vld [tilespmem:s7+$0xFFFFFFD0];
	p0 =	slt.u32 s6, $0x38;
	[tilespmem:s4+$0x7F0] =	vst v2  }
0x4f: {  	v2 =	vld [tilespmem:s7+$0xFFFFFFE0];
	[tilespmem:s4+$0x7C0] =	vst v1  }
0x50: {  	v1 =	vld [tilespmem:s7+$0xFFFFFFF0];
	[tilespmem:s4+$0x800] =	vst v3  }
0x51: {  	v3 =	vld [tilespmem:s7+$0x0];
	[tilespmem:s4+$0x810] =	vst v4  }
0x52: {  	v4 =	vld [tilespmem:s7+$0x10];
	[tilespmem:s4+$0x820] =	vst v5  }
0x53: {  	v5 =	vadd.s32 $0x3E8, v0;
	v7 =	vadd.s32 $0x7D0, v0;
	v8 =	vadd.s32 $0xBB8, v0;
	v9 =	vld [tilespmem:s7+$0x20]  }
0x54: {  	v10 =	vld [tilespmem:s7+$0xFFFFFFC0];
	v11 =	vadd.s32 $0x3E8, v2;
	v12 =	vadd.s32 $0x7D0, v2;
	v13 =	vadd.s32 $0xBB8, v2  }
0x55: {  	v14 =	vadd.s32 $0x3E8, v1;
	v15 =	vadd.s32 $0x7D0, v1;
	v16 =	vadd.s32 $0xBB8, v1;
	v17 =	vld.idx.msk [tilespmem:v6+s3+$0x0], $0xffff  }
0x56: {  	v18 =	vld.idx.msk [tilespmem:v0+s3+$0x0], $0xffff;
	v19 =	vadd.s32 $0x3E8, v3;
	v20 =	vadd.s32 $0x7D0, v3;
	v21 =	vadd.s32 $0xBB8, v3  }
0x57: {  	v25 =	vadd.s32 $0x3E8, v6;
	v22 =	vld.idx.msk [tilespmem:v2+s3+$0x0], $0xffff;
	v23 =	vadd.s32 $0x3E8, v4;
	v24 =	vadd.s32 $0x7D0, v4  }
0x58: {  	v27 =	vadd.s32 $0xBB8, v4;
	v26 =	vld.idx.msk [tilespmem:v1+s3+$0x0], $0xffff;
	v28 =	vadd.s32 $0x3E8, v9;
	v29 =	vadd.s32 $0x7D0, v9  }
0x59: {  	v30 =	vadd.s32 $0x3E8, v10;
	v31 =	vadd.s32 $0x7D0, v10;
	v32 =	vadd.s32 $0xBB8, v10;
	v33 =	vld.idx.msk [tilespmem:v3+s3+$0x0], $0xffff  }
0x5a: {  	s4 =	sadd.s32 $0x80, s4;
	v0 =	vadd.s32 $0xFA0, v0;
	v36 =	vadd.s32 $0xBB8, v9;
	v34 =	vadd.s32 $0xFA0, v10;
	v35 =	vld.idx.msk [tilespmem:v4+s3+$0x0], $0xffff  }
0x5b: {  	v2 =	vadd.s32 $0xFA0, v2;
	v1 =	vadd.s32 $0xFA0, v1;
	v3 =	vadd.s32 $0xFA0, v3;
	v37 =	vld.idx.msk [tilespmem:v9+s3+$0x0], $0xffff;
	[tilespmem:s4+$0xFFFFF830] =	vst v17  }
0x5c: {  	v4 =	vadd.s32 $0xFA0, v4;
	v9 =	vadd.s32 $0xFA0, v9;
	[tilespmem:s4+$0xFFFFF7D0] =	vst v18;
	v17 =	vld.idx.msk [tilespmem:v25+s3+$0x0], $0xffff  }
0x5d: {  	v10 =	vld.idx.msk [tilespmem:v10+s3+$0x0], $0xffff;
	[tilespmem:s4+$0xFFFFF7E0] =	vst v22  }
0x5e: {  	v18 =	vadd.s32 $0x7D0, v6;
	v5 =	vld.idx.msk [tilespmem:v5+s3+$0x0], $0xffff;
	[tilespmem:s4+$0xFFFFF7F0] =	vst v26  }
0x5f: {  	v11 =	vld.idx.msk [tilespmem:v11+s3+$0x0], $0xffff;
	[tilespmem:s4+$0xFFFFF800] =	vst v33  }
0x60: {  	v14 =	vld.idx.msk [tilespmem:v14+s3+$0x0], $0xffff;
	[tilespmem:s4+$0xFFFFF810] =	vst v35  }
0x61: {  	v19 =	vld.idx.msk [tilespmem:v19+s3+$0x0], $0xffff;
	[tilespmem:s4+$0xFFFFF820] =	vst v37  }
0x62: {  	v22 =	vld.idx.msk [tilespmem:v23+s3+$0x0], $0xffff;
	[tilespmem:s4+$0xFFFFFC30] =	vst v17  }
0x63: {  	[tilespmem:s4+$0xFFFFF7C0] =	vst v10;
	v10 =	vld.idx.msk [tilespmem:v18+s3+$0x0], $0xffff  }
0x64: {  	v17 =	vld.idx.msk [tilespmem:v30+s3+$0x0], $0xffff;
	[tilespmem:s4+$0xFFFFFBD0] =	vst v5  }
0x65: {  	[tilespmem:s4+$0xFFFFFBE0] =	vst v11;
	v5 =	vld.idx.msk [tilespmem:v28+s3+$0x0], $0xffff;
	v11 =	vadd.s32 $0xBB8, v6  }
0x66: {  	v7 =	vld.idx.msk [tilespmem:v7+s3+$0x0], $0xffff;
	[tilespmem:s4+$0xFFFFFBF0] =	vst v14  }
0x67: {  	v12 =	vld.idx.msk [tilespmem:v12+s3+$0x0], $0xffff;
	[tilespmem:s4+$0xFFFFFC00] =	vst v19  }
0x68: {  	v14 =	vld.idx.msk [tilespmem:v15+s3+$0x0], $0xffff;
	[tilespmem:s4+$0xFFFFFC10] =	vst v22  }
0x69: {  	v15 =	vld.idx.msk [tilespmem:v20+s3+$0x0], $0xffff;
	[tilespmem:s4+$0x30] =	vst v10  }
0x6a: {  	[tilespmem:s4+$0xFFFFFBC0] =	vst v17;
	v10 =	vld.idx.msk [tilespmem:v11+s3+$0x0], $0xffff  }
0x6b: {  	v11 =	vld.idx.msk [tilespmem:v31+s3+$0x0], $0xffff;
	[tilespmem:s4+$0xFFFFFC20] =	vst v5  }
0x6c: {  	v6 =	vadd.s32 $0xFA0, v6;
	[tilespmem:s4+$0xFFFFFFD0] =	vst v7;
	v5 =	vld.idx.msk [tilespmem:v24+s3+$0x0], $0xffff  }
0x6d: {  	[tilespmem:s4+$0xFFFFFFE0] =	vst v12;
	v7 =	vld.idx.msk [tilespmem:v29+s3+$0x0], $0xffff  }
0x6e: {  	v8 =	vld.idx.msk [tilespmem:v8+s3+$0x0], $0xffff;
	[tilespmem:s4+$0xFFFFFFF0] =	vst v14  }
0x6f: {  	v12 =	vld.idx.msk [tilespmem:v13+s3+$0x0], $0xffff;
	[tilespmem:s4+$0x0] =	vst v15  }
0x70: {  	v13 =	vld.idx.msk [tilespmem:v16+s3+$0x0], $0xffff;
	[tilespmem:s4+$0x430] =	vst v10  }
0x71: {  	[tilespmem:s4+$0xFFFFFFC0] =	vst v11;
	v6 =	vld.idx.msk [tilespmem:v6+s3+$0x0], $0xffff  }
0x72: {  	v10 =	vld.idx.msk [tilespmem:v32+s3+$0x0], $0xffff;
	[tilespmem:s4+$0x10] =	vst v5  }
0x73: {  	v5 =	vld.idx.msk [tilespmem:v21+s3+$0x0], $0xffff;
	[tilespmem:s4+$0x20] =	vst v7  }
0x74: {  	[tilespmem:s4+$0x3D0] =	vst v8;
	v7 =	vld.idx.msk [tilespmem:v27+s3+$0x0], $0xffff  }
0x75: {  	[tilespmem:s4+$0x3E0] =	vst v12;
	v8 =	vld.idx.msk [tilespmem:v36+s3+$0x0], $0xffff  }
0x76: {  	v11 =	vld.idx.msk [tilespmem:v0+s3+$0x0], $0xffff;
	[tilespmem:s4+$0x3F0] =	vst v13  }
0x77: {  	v0 =	vld.idx.msk [tilespmem:v2+s3+$0x0], $0xffff;
	[tilespmem:s4+$0x830] =	vst v6  }
.Ltmp0:
0x78: {  	[tilespmem:s4+$0x3C0] =	vst v10;
	v2 =	vld.idx.msk [tilespmem:v1+s3+$0x0], $0xffff;
	(pc) =	sbr.rel @p0 .LBB2_2-.Ltmp0, $4  }
0x79: {  	v1 =	vld.idx.msk [tilespmem:v34+s3+$0x0], $0xffff;
	[tilespmem:s4+$0x400] =	vst v5  }
0x7a: {  	v3 =	vld.idx.msk [tilespmem:v3+s3+$0x0], $0xffff;
	[tilespmem:s4+$0x410] =	vst v7  }
0x7b: {  	v4 =	vld.idx.msk [tilespmem:v4+s3+$0x0], $0xffff;
	[tilespmem:s4+$0x420] =	vst v8  }
0x7c: {  	s7 =	sadd.s32 $0x80, s7;
	[tilespmem:s4+$0x7D0] =	vst v11;
	v5 =	vld.idx.msk [tilespmem:v9+s3+$0x0], $0xffff  }
0x7d: {  	[tilespmem:s4+$0x7E0] =	vst v0  }
0x7e: {  	[tilespmem:s4+$0x7F0] =	vst v2  }
0x7f: {  	[tilespmem:s4+$0x7C0] =	vst v1  }
0x80: {  	[tilespmem:s4+$0x800] =	vst v3  }
0x81: {  	[tilespmem:s4+$0x810] =	vst v4  }
0x82: {  	[tilespmem:s4+$0x820] =	vst v5  }
0x83: {  	[hbm4b:s5+s3] =	stream.linear.scatter [tilespmem:s22], [sflag:$0x1], $0x400, $0x38;
	[tilespmem:$0x1CC00] =	vst v63  }
0x84: {  	s4 =	rddreg [dreg:$0x6]  }
0x85: {  	[hbm4b:s4+s3] =	stream.linear.scatter [tilespmem:s23], [sflag:$0x1], $0x400, $0x38;
	[tilespmem:$0x1CC00] =	vst v63  }
0x86: {  	s11 =	rddreg [dreg:$0x7]  }
0x87: {  	[hbm4b:s11+s3] =	stream.linear.scatter [tilespmem:s24], [sflag:$0x1], $0x400, $0x38;
	[tilespmem:$0x1CC00] =	vst v63  }
0x88: {  	s12 =	rddreg [dreg:$0x8]  }
0x89: {  	[hbm4b:s12+s3] =	stream.linear.scatter [tilespmem:s25], [sflag:$0x1], $0x400, $0x38;
	[tilespmem:$0x1CC00] =	vst v63  }
0x8a: {  	s21 =	simm.s32 $0x1870;
	s13 =	rddreg [dreg:$0x9]  }
0x8b: {  	[hbm4b:s13+s3] =	stream.linear.scatter [tilespmem:s26], [sflag:$0x1], $0x400, $0x38;
	[tilespmem:$0x1CC00] =	vst v63  }
0x8c: {  	v0 =	vld [tilespmem:s21+$0x0]  }
0x8d: {  	v1 =	vld [tilespmem:s21+$0xFFFFFFA0]  }
0x8e: {  	v2 =	vld [tilespmem:s21+$0xFFFFFFB0]  }
0x8f: {  	v3 =	vld [tilespmem:s21+$0xFFFFFFC0]  }
0x90: {  	v4 =	vld [tilespmem:s21+$0xFFFFFFD0]  }
0x91: {  	v5 =	vld [tilespmem:s21+$0xFFFFFFE0]  }
0x92: {  	v6 =	vld [tilespmem:s21+$0xFFFFFFF0]  }
0x93: {  	v7 =	vld [tilespmem:s21+$0xFFFFFF90]  }
0x94: {  	v8 =	vld.idx.msk [tilespmem:v0+s3+$0x0], $0xffff  }
0x95: {  	v9 =	vld.idx.msk [tilespmem:v1+s3+$0x0], $0xffff  }
0x96: {  	v10 =	vld.idx.msk [tilespmem:v2+s3+$0x0], $0xffff  }
0x97: {  	v11 =	vadd.s32 $0x3E8, v0;
	v12 =	vld.idx.msk [tilespmem:v3+s3+$0x0], $0xffff  }
0x98: {  	v13 =	vadd.s32 $0x3E8, v1;
	v14 =	vld.idx.msk [tilespmem:v4+s3+$0x0], $0xffff  }
0x99: {  	s4 =	simm.s32 $0x1C040;
	v15 =	vadd.s32 $0x3E8, v2;
	v16 =	vld.idx.msk [tilespmem:v5+s3+$0x0], $0xffff  }
0x9a: {  	v17 =	vadd.s32 $0x3E8, v3;
	v18 =	vld.idx.msk [tilespmem:v6+s3+$0x0], $0xffff;
	[tilespmem:s4+$0xFFFFF830] =	vst v8  }
0x9b: {  	v36 =	vadd.s32 $0x3E8, v4;
	v19 =	vld.idx.msk [tilespmem:v7+s3+$0x0], $0xffff;
	[tilespmem:s4+$0xFFFFF7D0] =	vst v9  }
0x9c: {  	v38 =	vadd.s32 $0x3E8, v5;
	[tilespmem:s4+$0xFFFFF7E0] =	vst v10;
	v37 =	vld.idx.msk [tilespmem:v11+s3+$0x0], $0xffff  }
0x9d: {  	v41 =	vadd.s32 $0x3E8, v7;
	[tilespmem:s4+$0xFFFFF7F0] =	vst v12;
	v39 =	vld.idx.msk [tilespmem:v13+s3+$0x0], $0xffff  }
0x9e: {  	v42 =	vadd.s32 $0x3E8, v6;
	[tilespmem:s4+$0xFFFFF800] =	vst v14;
	v15 =	vld.idx.msk [tilespmem:v15+s3+$0x0], $0xffff  }
0x9f: {  	v40 =	vadd.s32 $0x7D0, v0;
	[tilespmem:s4+$0xFFFFF810] =	vst v16;
	v17 =	vld.idx.msk [tilespmem:v17+s3+$0x0], $0xffff  }
0xa0: {  	v43 =	vadd.s32 $0x7D0, v1;
	[tilespmem:s4+$0xFFFFF820] =	vst v18;
	v8 =	vld.idx.msk [tilespmem:v36+s3+$0x0], $0xffff  }
0xa1: {  	v44 =	vadd.s32 $0x7D0, v2;
	[tilespmem:s4+$0xFFFFF7C0] =	vst v19;
	v11 =	vld.idx.msk [tilespmem:v38+s3+$0x0], $0xffff  }
0xa2: {  	v45 =	vadd.s32 $0x7D0, v3;
	v13 =	vld.idx.msk [tilespmem:v41+s3+$0x0], $0xffff;
	[tilespmem:s4+$0xFFFFFC30] =	vst v37  }
0xa3: {  	v46 =	vadd.s32 $0x7D0, v4;
	v47 =	vld.idx.msk [tilespmem:v42+s3+$0x0], $0xffff;
	[tilespmem:s4+$0xFFFFFBD0] =	vst v39  }
0xa4: {  	v49 =	vadd.s32 $0x7D0, v7;
	[tilespmem:s4+$0xFFFFFBE0] =	vst v15;
	v12 =	vld.idx.msk [tilespmem:v40+s3+$0x0], $0xffff  }
0xa5: {  	v50 =	vadd.s32 $0x7D0, v5;
	[tilespmem:s4+$0xFFFFFBF0] =	vst v17;
	v16 =	vld.idx.msk [tilespmem:v43+s3+$0x0], $0xffff  }
0xa6: {  	v48 =	vadd.s32 $0xBB8, v0;
	[tilespmem:s4+$0xFFFFFC00] =	vst v8;
	v18 =	vld.idx.msk [tilespmem:v44+s3+$0x0], $0xffff  }
0xa7: {  	v51 =	vadd.s32 $0x7D0, v6;
	[tilespmem:s4+$0xFFFFFC10] =	vst v11;
	v9 =	vld.idx.msk [tilespmem:v45+s3+$0x0], $0xffff  }
0xa8: {  	v52 =	vadd.s32 $0xBB8, v1;
	[tilespmem:s4+$0xFFFFFBC0] =	vst v13;
	v19 =	vld.idx.msk [tilespmem:v46+s3+$0x0], $0xffff  }
0xa9: {  	v53 =	vadd.s32 $0xBB8, v2;
	[tilespmem:s4+$0xFFFFFC20] =	vst v47;
	v15 =	vld.idx.msk [tilespmem:v49+s3+$0x0], $0xffff  }
0xaa: {  	v55 =	vadd.s32 $0xBB8, v3;
	v56 =	vld.idx.msk [tilespmem:v50+s3+$0x0], $0xffff;
	[tilespmem:s4+$0x30] =	vst v12  }
0xab: {  	v58 =	vadd.s32 $0xBB8, v4;
	[tilespmem:s4+$0xFFFFFFD0] =	vst v16;
	v54 =	vld.idx.msk [tilespmem:v48+s3+$0x0], $0xffff  }
0xac: {  	v0 =	vadd.s32 $0xFA0, v0;
	v8 =	vld.idx.msk [tilespmem:v51+s3+$0x0], $0xffff;
	[tilespmem:s4+$0xFFFFFFE0] =	vst v18  }
0xad: {  	v57 =	vadd.s32 $0xBB8, v7;
	[tilespmem:s4+$0xFFFFFFF0] =	vst v9;
	v11 =	vld.idx.msk [tilespmem:v52+s3+$0x0], $0xffff  }
0xae: {  	v59 =	vadd.s32 $0xBB8, v5;
	[tilespmem:s4+$0x0] =	vst v19;
	v12 =	vld.idx.msk [tilespmem:v53+s3+$0x0], $0xffff  }
0xaf: {  	v60 =	vadd.s32 $0xBB8, v6;
	[tilespmem:s4+$0xFFFFFFC0] =	vst v15;
	v14 =	vld.idx.msk [tilespmem:v55+s3+$0x0], $0xffff  }
0xb0: {  	v1 =	vadd.s32 $0xFA0, v1;
	v61 =	vld.idx.msk [tilespmem:v58+s3+$0x0], $0xffff;
	[tilespmem:s4+$0x430] =	vst v54  }
0xb1: {  	[tilespmem:s4+$0x10] =	vst v56;
	v13 =	vld.idx.msk [tilespmem:v0+s3+$0x0], $0xffff;
	v0 =	vadd.s32 $0xFA0, v2  }
0xb2: {  	v3 =	vadd.s32 $0xFA0, v3;
	[tilespmem:s4+$0x20] =	vst v8;
	v2 =	vld.idx.msk [tilespmem:v57+s3+$0x0], $0xffff  }
0xb3: {  	v4 =	vadd.s32 $0xFA0, v4;
	v62 =	vld.idx.msk [tilespmem:v59+s3+$0x0], $0xffff;
	[tilespmem:s4+$0x3D0] =	vst v11  }
0xb4: {  	v7 =	vadd.s32 $0xFA0, v7;
	v63 =	vld.idx.msk [tilespmem:v60+s3+$0x0], $0xffff;
	[tilespmem:s4+$0x3E0] =	vst v12  }
0xb5: {  	v5 =	vadd.s32 $0xFA0, v5;
	[tilespmem:s4+$0x3F0] =	vst v14;
	v11 =	vld.idx.msk [tilespmem:v1+s3+$0x0], $0xffff  }
0xb6: {  	v6 =	vadd.s32 $0xFA0, v6;
	[tilespmem:s4+$0x400] =	vst v61;
	v0 =	vld.idx.msk [tilespmem:v0+s3+$0x0], $0xffff  }
0xb7: {  	[tilespmem:s4+$0x3C0] =	vst v2;
	v2 =	vld.idx.msk [tilespmem:v3+s3+$0x0], $0xffff  }
0xb8: {  	[tilespmem:s4+$0x410] =	vst v62;
	v3 =	vld.idx.msk [tilespmem:v4+s3+$0x0], $0xffff  }
0xb9: {  	[tilespmem:s4+$0x420] =	vst v63;
	v1 =	vld.idx.msk [tilespmem:v7+s3+$0x0], $0xffff  }
0xba: {  	[tilespmem:s4+$0x830] =	vst v13;
	v4 =	vld.idx.msk [tilespmem:v5+s3+$0x0], $0xffff  }
0xbb: {  	s6 =	simm.s32 $0x0;
	s7 =	simm.s32 $0x18F0;
	[tilespmem:s4+$0x7D0] =	vst v11;
	v5 =	vld.idx.msk [tilespmem:v6+s3+$0x0], $0xffff  }
.LBB2_4:
0xbc: {  	v6 =	vld [tilespmem:s7+$0x0];
	s6 =	sadd.s32 $0x8, s6;
	[tilespmem:s4+$0x7E0] =	vst v0  }
0xbd: {  	v0 =	vld [tilespmem:s7+$0xFFFFFFA0];
	p0 =	slt.u32 s6, $0x38;
	[tilespmem:s4+$0x7F0] =	vst v2  }
0xbe: {  	v2 =	vld [tilespmem:s7+$0xFFFFFFB0];
	[tilespmem:s4+$0x7C0] =	vst v1  }
0xbf: {  	v1 =	vld [tilespmem:s7+$0xFFFFFFC0];
	[tilespmem:s4+$0x800] =	vst v3  }
0xc0: {  	v3 =	vld [tilespmem:s7+$0xFFFFFFD0];
	[tilespmem:s4+$0x810] =	vst v4  }
0xc1: {  	v4 =	vld [tilespmem:s7+$0xFFFFFFE0];
	[tilespmem:s4+$0x820] =	vst v5  }
0xc2: {  	v5 =	vadd.s32 $0x3E8, v0;
	v7 =	vadd.s32 $0x7D0, v0;
	v8 =	vadd.s32 $0xBB8, v0;
	v9 =	vld [tilespmem:s7+$0xFFFFFFF0]  }
0xc3: {  	v10 =	vld [tilespmem:s7+$0xFFFFFF90];
	v11 =	vadd.s32 $0x3E8, v2;
	v12 =	vadd.s32 $0x7D0, v2;
	v13 =	vadd.s32 $0xBB8, v2  }
0xc4: {  	v14 =	vadd.s32 $0x3E8, v1;
	v15 =	vadd.s32 $0x7D0, v1;
	v16 =	vadd.s32 $0xBB8, v1;
	v17 =	vld.idx.msk [tilespmem:v6+s3+$0x0], $0xffff  }
0xc5: {  	v18 =	vld.idx.msk [tilespmem:v0+s3+$0x0], $0xffff;
	v19 =	vadd.s32 $0x3E8, v3;
	v20 =	vadd.s32 $0x7D0, v3;
	v21 =	vadd.s32 $0xBB8, v3  }
0xc6: {  	v25 =	vadd.s32 $0x3E8, v6;
	v22 =	vld.idx.msk [tilespmem:v2+s3+$0x0], $0xffff;
	v23 =	vadd.s32 $0x3E8, v4;
	v24 =	vadd.s32 $0x7D0, v4  }
0xc7: {  	v27 =	vadd.s32 $0xBB8, v4;
	v26 =	vld.idx.msk [tilespmem:v1+s3+$0x0], $0xffff;
	v28 =	vadd.s32 $0x3E8, v9;
	v29 =	vadd.s32 $0x7D0, v9  }
0xc8: {  	v30 =	vadd.s32 $0x3E8, v10;
	v31 =	vadd.s32 $0x7D0, v10;
	v32 =	vadd.s32 $0xBB8, v10;
	v33 =	vld.idx.msk [tilespmem:v3+s3+$0x0], $0xffff  }
0xc9: {  	s4 =	sadd.s32 $0x80, s4;
	v0 =	vadd.s32 $0xFA0, v0;
	v36 =	vadd.s32 $0xBB8, v9;
	v34 =	vadd.s32 $0xFA0, v10;
	v35 =	vld.idx.msk [tilespmem:v4+s3+$0x0], $0xffff  }
0xca: {  	v2 =	vadd.s32 $0xFA0, v2;
	v1 =	vadd.s32 $0xFA0, v1;
	v3 =	vadd.s32 $0xFA0, v3;
	v37 =	vld.idx.msk [tilespmem:v9+s3+$0x0], $0xffff;
	[tilespmem:s4+$0xFFFFF830] =	vst v17  }
0xcb: {  	v4 =	vadd.s32 $0xFA0, v4;
	v9 =	vadd.s32 $0xFA0, v9;
	[tilespmem:s4+$0xFFFFF7D0] =	vst v18;
	v17 =	vld.idx.msk [tilespmem:v25+s3+$0x0], $0xffff  }
0xcc: {  	v10 =	vld.idx.msk [tilespmem:v10+s3+$0x0], $0xffff;
	[tilespmem:s4+$0xFFFFF7E0] =	vst v22  }
0xcd: {  	v18 =	vadd.s32 $0x7D0, v6;
	v5 =	vld.idx.msk [tilespmem:v5+s3+$0x0], $0xffff;
	[tilespmem:s4+$0xFFFFF7F0] =	vst v26  }
0xce: {  	v11 =	vld.idx.msk [tilespmem:v11+s3+$0x0], $0xffff;
	[tilespmem:s4+$0xFFFFF800] =	vst v33  }
0xcf: {  	v14 =	vld.idx.msk [tilespmem:v14+s3+$0x0], $0xffff;
	[tilespmem:s4+$0xFFFFF810] =	vst v35  }
0xd0: {  	v19 =	vld.idx.msk [tilespmem:v19+s3+$0x0], $0xffff;
	[tilespmem:s4+$0xFFFFF820] =	vst v37  }
0xd1: {  	v22 =	vld.idx.msk [tilespmem:v23+s3+$0x0], $0xffff;
	[tilespmem:s4+$0xFFFFFC30] =	vst v17  }
0xd2: {  	[tilespmem:s4+$0xFFFFF7C0] =	vst v10;
	v10 =	vld.idx.msk [tilespmem:v18+s3+$0x0], $0xffff  }
0xd3: {  	v17 =	vld.idx.msk [tilespmem:v30+s3+$0x0], $0xffff;
	[tilespmem:s4+$0xFFFFFBD0] =	vst v5  }
0xd4: {  	[tilespmem:s4+$0xFFFFFBE0] =	vst v11;
	v5 =	vld.idx.msk [tilespmem:v28+s3+$0x0], $0xffff;
	v11 =	vadd.s32 $0xBB8, v6  }
0xd5: {  	v7 =	vld.idx.msk [tilespmem:v7+s3+$0x0], $0xffff;
	[tilespmem:s4+$0xFFFFFBF0] =	vst v14  }
0xd6: {  	v12 =	vld.idx.msk [tilespmem:v12+s3+$0x0], $0xffff;
	[tilespmem:s4+$0xFFFFFC00] =	vst v19  }
0xd7: {  	v14 =	vld.idx.msk [tilespmem:v15+s3+$0x0], $0xffff;
	[tilespmem:s4+$0xFFFFFC10] =	vst v22  }
0xd8: {  	v15 =	vld.idx.msk [tilespmem:v20+s3+$0x0], $0xffff;
	[tilespmem:s4+$0x30] =	vst v10  }
0xd9: {  	[tilespmem:s4+$0xFFFFFBC0] =	vst v17;
	v10 =	vld.idx.msk [tilespmem:v11+s3+$0x0], $0xffff  }
0xda: {  	v11 =	vld.idx.msk [tilespmem:v31+s3+$0x0], $0xffff;
	[tilespmem:s4+$0xFFFFFC20] =	vst v5  }
0xdb: {  	v6 =	vadd.s32 $0xFA0, v6;
	[tilespmem:s4+$0xFFFFFFD0] =	vst v7;
	v5 =	vld.idx.msk [tilespmem:v24+s3+$0x0], $0xffff  }
0xdc: {  	[tilespmem:s4+$0xFFFFFFE0] =	vst v12;
	v7 =	vld.idx.msk [tilespmem:v29+s3+$0x0], $0xffff  }
0xdd: {  	v8 =	vld.idx.msk [tilespmem:v8+s3+$0x0], $0xffff;
	[tilespmem:s4+$0xFFFFFFF0] =	vst v14  }
0xde: {  	v12 =	vld.idx.msk [tilespmem:v13+s3+$0x0], $0xffff;
	[tilespmem:s4+$0x0] =	vst v15  }
0xdf: {  	v13 =	vld.idx.msk [tilespmem:v16+s3+$0x0], $0xffff;
	[tilespmem:s4+$0x430] =	vst v10  }
0xe0: {  	[tilespmem:s4+$0xFFFFFFC0] =	vst v11;
	v6 =	vld.idx.msk [tilespmem:v6+s3+$0x0], $0xffff  }
0xe1: {  	v10 =	vld.idx.msk [tilespmem:v32+s3+$0x0], $0xffff;
	[tilespmem:s4+$0x10] =	vst v5  }
0xe2: {  	v5 =	vld.idx.msk [tilespmem:v21+s3+$0x0], $0xffff;
	[tilespmem:s4+$0x20] =	vst v7  }
0xe3: {  	[tilespmem:s4+$0x3D0] =	vst v8;
	v7 =	vld.idx.msk [tilespmem:v27+s3+$0x0], $0xffff  }
0xe4: {  	[tilespmem:s4+$0x3E0] =	vst v12;
	v8 =	vld.idx.msk [tilespmem:v36+s3+$0x0], $0xffff  }
0xe5: {  	v11 =	vld.idx.msk [tilespmem:v0+s3+$0x0], $0xffff;
	[tilespmem:s4+$0x3F0] =	vst v13  }
0xe6: {  	v0 =	vld.idx.msk [tilespmem:v2+s3+$0x0], $0xffff;
	[tilespmem:s4+$0x830] =	vst v6  }
.Ltmp1:
0xe7: {  	[tilespmem:s4+$0x3C0] =	vst v10;
	v2 =	vld.idx.msk [tilespmem:v1+s3+$0x0], $0xffff;
	(pc) =	sbr.rel @p0 .LBB2_4-.Ltmp1, $4  }
0xe8: {  	v1 =	vld.idx.msk [tilespmem:v34+s3+$0x0], $0xffff;
	[tilespmem:s4+$0x400] =	vst v5  }
0xe9: {  	v3 =	vld.idx.msk [tilespmem:v3+s3+$0x0], $0xffff;
	[tilespmem:s4+$0x410] =	vst v7  }
0xea: {  	v4 =	vld.idx.msk [tilespmem:v4+s3+$0x0], $0xffff;
	[tilespmem:s4+$0x420] =	vst v8  }
0xeb: {  	s7 =	sadd.s32 $0x80, s7;
	[tilespmem:s4+$0x7D0] =	vst v11;
	v5 =	vld.idx.msk [tilespmem:v9+s3+$0x0], $0xffff  }
0xec: {  	[tilespmem:s4+$0x7E0] =	vst v0  }
0xed: {  	[tilespmem:s4+$0x7F0] =	vst v2  }
0xee: {  	[tilespmem:s4+$0x7C0] =	vst v1  }
0xef: {  	[tilespmem:s4+$0x800] =	vst v3  }
0xf0: {  	[tilespmem:s4+$0x810] =	vst v4  }
0xf1: {  	[tilespmem:s4+$0x820] =	vst v5  }
0xf2: {  	s21 =	simm.s32 $0x0;
	s4 =	rddreg [dreg:$0xa]  }
0xf3: {  	[hbm4b:s4+s21] =	stream.linear.scatter [tilespmem:s28], [sflag:$0x2], $0x400, $0x38;
	[tilespmem:$0x1CC00] =	vst v63  }
0xf4: {  	s12 =	rddreg [dreg:$0xb]  }
0xf5: {  	[hbm4b:s12+s21] =	stream.linear.scatter [tilespmem:s29], [sflag:$0x2], $0x400, $0x38;
	[tilespmem:$0x1CC00] =	vst v63  }
0xf6: {  	s13 =	rddreg [dreg:$0xc]  }
0xf7: {  	[hbm4b:s13+s21] =	stream.linear.scatter [tilespmem:s30], [sflag:$0x2], $0x400, $0x38;
	[tilespmem:$0x1CC00] =	vst v63  }
0xf8: {  	_ = 	snop  }
0xf9: {  	[hbm4b:s14+s21] =	stream.linear.scatter [tilespmem:s31], [sflag:$0x2], $0x400, $0x38;
	[tilespmem:$0x1CC00] =	vst v63  }
0xfa: {  	p0 =	por $0x1, $0x1;
	s6 =	simm.s32 $0x2;
	s4 =	simm.s32 $0x2  }
0xfb: {  	[hbm4b:s15+s21] =	stream.linear.scatter [tilespmem:s0], [sflag:$0x2], $0x400, $0x38;
	[tilespmem:$0x1CC00] =	vst v63  }
.LBB2_6:
0xfc: {  	_ =	swait.ge [sflag:s1], $0x400  }
0xfd: {  	[sflag:s1] =	ssyncset.done $0x0  }
0xfe: {  	[sflag:s1] =	ssyncadd.s32 $0xFFFFFC00  }
0xff: {  	_ =	swait.ge [sflag:s1], $0x400  }
0x100: {  	[sflag:s1] =	ssyncset.done $0x0  }
0x101: {  	[sflag:s1] =	ssyncadd.s32 $0xFFFFFC00  }
0x102: {  	_ =	swait.ge [sflag:s1], $0x400  }
0x103: {  	[sflag:s1] =	ssyncset.done $0x0  }
0x104: {  	[sflag:s1] =	ssyncadd.s32 $0xFFFFFC00  }
0x105: {  	s8 =	simm.s32 $0x1;
	_ =	swait.ge [sflag:s1], $0x400  }
0x106: {  	s7 =	sshll.u32 s6, $0xC;
	s8 =	simm.s32 @!p0 $0x0;
	[sflag:s1] =	ssyncset.done $0x0  }
0x107: {  	s7 =	sand.u32 $0xFFFFC000, s7;
	s8 =	sshll.u32 s8, $0xD;
	[sflag:s1] =	ssyncadd.s32 $0xFFFFFC00  }
0x108: {  	s8 =	sor.u32 s8, s7;
	_ =	swait.ge [sflag:s1], $0x400  }
0x109: {  	s8 =	sshrl.u32 s8, $0x2;
	[sflag:s1] =	ssyncset.done $0x0  }
0x10a: {  	s13 =	sadd.s32 $0x1440, s8;
	[sflag:s1] =	ssyncadd.s32 $0xFFFFFC00  }
0x10b: {  	v0 =	vld [tilespmem:s13+$0x30]  }
0x10c: {  	v1 =	vld [tilespmem:s13+$0xFFFFFFD0]  }
0x10d: {  	v2 =	vld [tilespmem:s13+$0xFFFFFFE0]  }
0x10e: {  	v3 =	vld [tilespmem:s13+$0xFFFFFFF0]  }
0x10f: {  	v4 =	vld [tilespmem:s13+$0x0]  }
0x110: {  	v5 =	vld [tilespmem:s13+$0x10]  }
0x111: {  	v6 =	vld [tilespmem:s13+$0x20]  }
0x112: {  	v7 =	vld [tilespmem:s13+$0xFFFFFFC0]  }
0x113: {  	v8 =	vld.idx.msk [tilespmem:v0+s3+$0x0], $0xffff  }
0x114: {  	v9 =	vld.idx.msk [tilespmem:v1+s3+$0x0], $0xffff  }
0x115: {  	v10 =	vld.idx.msk [tilespmem:v2+s3+$0x0], $0xffff  }
0x116: {  	v11 =	vadd.s32 $0x3E8, v0;
	v12 =	vld.idx.msk [tilespmem:v3+s3+$0x0], $0xffff  }
0x117: {  	v13 =	vadd.s32 $0x3E8, v1;
	v14 =	vld.idx.msk [tilespmem:v4+s3+$0x0], $0xffff  }
0x118: {  	s9 =	simm.s32 $0x1AC40;
	v15 =	vadd.s32 $0x3E8, v2;
	v16 =	vld.idx.msk [tilespmem:v5+s3+$0x0], $0xffff  }
0x119: {  	v17 =	vadd.s32 $0x3E8, v3;
	v18 =	vld.idx.msk [tilespmem:v6+s3+$0x0], $0xffff;
	[tilespmem:s9+$0xFFFFF830] =	vst v8  }
0x11a: {  	v36 =	vadd.s32 $0x3E8, v4;
	v19 =	vld.idx.msk [tilespmem:v7+s3+$0x0], $0xffff;
	[tilespmem:s9+$0xFFFFF7D0] =	vst v9  }
0x11b: {  	v38 =	vadd.s32 $0x3E8, v5;
	[tilespmem:s9+$0xFFFFF7E0] =	vst v10;
	v37 =	vld.idx.msk [tilespmem:v11+s3+$0x0], $0xffff  }
0x11c: {  	v41 =	vadd.s32 $0x3E8, v7;
	[tilespmem:s9+$0xFFFFF7F0] =	vst v12;
	v39 =	vld.idx.msk [tilespmem:v13+s3+$0x0], $0xffff  }
0x11d: {  	v42 =	vadd.s32 $0x3E8, v6;
	[tilespmem:s9+$0xFFFFF800] =	vst v14;
	v15 =	vld.idx.msk [tilespmem:v15+s3+$0x0], $0xffff  }
0x11e: {  	v40 =	vadd.s32 $0x7D0, v0;
	[tilespmem:s9+$0xFFFFF810] =	vst v16;
	v17 =	vld.idx.msk [tilespmem:v17+s3+$0x0], $0xffff  }
0x11f: {  	v43 =	vadd.s32 $0x7D0, v1;
	[tilespmem:s9+$0xFFFFF820] =	vst v18;
	v8 =	vld.idx.msk [tilespmem:v36+s3+$0x0], $0xffff  }
0x120: {  	v44 =	vadd.s32 $0x7D0, v2;
	[tilespmem:s9+$0xFFFFF7C0] =	vst v19;
	v11 =	vld.idx.msk [tilespmem:v38+s3+$0x0], $0xffff  }
0x121: {  	v45 =	vadd.s32 $0x7D0, v3;
	v13 =	vld.idx.msk [tilespmem:v41+s3+$0x0], $0xffff;
	[tilespmem:s9+$0xFFFFFC30] =	vst v37  }
0x122: {  	v46 =	vadd.s32 $0x7D0, v4;
	v47 =	vld.idx.msk [tilespmem:v42+s3+$0x0], $0xffff;
	[tilespmem:s9+$0xFFFFFBD0] =	vst v39  }
0x123: {  	v49 =	vadd.s32 $0x7D0, v7;
	[tilespmem:s9+$0xFFFFFBE0] =	vst v15;
	v12 =	vld.idx.msk [tilespmem:v40+s3+$0x0], $0xffff  }
0x124: {  	v50 =	vadd.s32 $0x7D0, v5;
	[tilespmem:s9+$0xFFFFFBF0] =	vst v17;
	v16 =	vld.idx.msk [tilespmem:v43+s3+$0x0], $0xffff  }
0x125: {  	v48 =	vadd.s32 $0xBB8, v0;
	[tilespmem:s9+$0xFFFFFC00] =	vst v8;
	v18 =	vld.idx.msk [tilespmem:v44+s3+$0x0], $0xffff  }
0x126: {  	v51 =	vadd.s32 $0x7D0, v6;
	[tilespmem:s9+$0xFFFFFC10] =	vst v11;
	v9 =	vld.idx.msk [tilespmem:v45+s3+$0x0], $0xffff  }
0x127: {  	v52 =	vadd.s32 $0xBB8, v1;
	[tilespmem:s9+$0xFFFFFBC0] =	vst v13;
	v19 =	vld.idx.msk [tilespmem:v46+s3+$0x0], $0xffff  }
0x128: {  	v53 =	vadd.s32 $0xBB8, v2;
	[tilespmem:s9+$0xFFFFFC20] =	vst v47;
	v15 =	vld.idx.msk [tilespmem:v49+s3+$0x0], $0xffff  }
0x129: {  	v55 =	vadd.s32 $0xBB8, v3;
	v56 =	vld.idx.msk [tilespmem:v50+s3+$0x0], $0xffff;
	[tilespmem:s9+$0x30] =	vst v12  }
0x12a: {  	v58 =	vadd.s32 $0xBB8, v4;
	[tilespmem:s9+$0xFFFFFFD0] =	vst v16;
	v54 =	vld.idx.msk [tilespmem:v48+s3+$0x0], $0xffff  }
0x12b: {  	v0 =	vadd.s32 $0xFA0, v0;
	v8 =	vld.idx.msk [tilespmem:v51+s3+$0x0], $0xffff;
	[tilespmem:s9+$0xFFFFFFE0] =	vst v18  }
0x12c: {  	v57 =	vadd.s32 $0xBB8, v7;
	[tilespmem:s9+$0xFFFFFFF0] =	vst v9;
	v11 =	vld.idx.msk [tilespmem:v52+s3+$0x0], $0xffff  }
0x12d: {  	v59 =	vadd.s32 $0xBB8, v5;
	[tilespmem:s9+$0x0] =	vst v19;
	v12 =	vld.idx.msk [tilespmem:v53+s3+$0x0], $0xffff  }
0x12e: {  	v60 =	vadd.s32 $0xBB8, v6;
	[tilespmem:s9+$0xFFFFFFC0] =	vst v15;
	v14 =	vld.idx.msk [tilespmem:v55+s3+$0x0], $0xffff  }
0x12f: {  	v1 =	vadd.s32 $0xFA0, v1;
	v61 =	vld.idx.msk [tilespmem:v58+s3+$0x0], $0xffff;
	[tilespmem:s9+$0x430] =	vst v54  }
0x130: {  	[tilespmem:s9+$0x10] =	vst v56;
	v13 =	vld.idx.msk [tilespmem:v0+s3+$0x0], $0xffff;
	v0 =	vadd.s32 $0xFA0, v2  }
0x131: {  	v3 =	vadd.s32 $0xFA0, v3;
	[tilespmem:s9+$0x20] =	vst v8;
	v2 =	vld.idx.msk [tilespmem:v57+s3+$0x0], $0xffff  }
0x132: {  	v4 =	vadd.s32 $0xFA0, v4;
	v62 =	vld.idx.msk [tilespmem:v59+s3+$0x0], $0xffff;
	[tilespmem:s9+$0x3D0] =	vst v11  }
0x133: {  	v7 =	vadd.s32 $0xFA0, v7;
	v63 =	vld.idx.msk [tilespmem:v60+s3+$0x0], $0xffff;
	[tilespmem:s9+$0x3E0] =	vst v12  }
0x134: {  	v5 =	vadd.s32 $0xFA0, v5;
	[tilespmem:s9+$0x3F0] =	vst v14;
	v11 =	vld.idx.msk [tilespmem:v1+s3+$0x0], $0xffff  }
0x135: {  	s12 =	sand.u32 $0x3, s4;
	v6 =	vadd.s32 $0xFA0, v6;
	[tilespmem:s9+$0x400] =	vst v61;
	v0 =	vld.idx.msk [tilespmem:v0+s3+$0x0], $0xffff  }
0x136: {  	s8 =	sshll.u32 s12, $0xC;
	[tilespmem:s9+$0x3C0] =	vst v2;
	v2 =	vld.idx.msk [tilespmem:v3+s3+$0x0], $0xffff  }
0x137: {  	s7 =	sor.u32 s8, s7;
	[tilespmem:s9+$0x410] =	vst v62;
	v3 =	vld.idx.msk [tilespmem:v4+s3+$0x0], $0xffff  }
0x138: {  	s8 =	sshll.u32 s21, $0x1;
	s7 =	sshrl.u32 s7, $0x2;
	[tilespmem:s9+$0x420] =	vst v63;
	v1 =	vld.idx.msk [tilespmem:v7+s3+$0x0], $0xffff  }
0x139: {  	s12 =	simm.s32 $0x0;
	s11 =	sadd.s32 $0x2, s8;
	s7 =	sadd.s32 $0x1870, s7;
	[tilespmem:s9+$0x830] =	vst v13;
	v4 =	vld.idx.msk [tilespmem:v5+s3+$0x0], $0xffff  }
0x13a: {  	s10 =	sand.u32 $0x2, s11;
	s11 =	sshrl.u32 s11, $0x2;
	s13 =	sadd.s32 $0x80, s13;
	[tilespmem:s9+$0x7D0] =	vst v11;
	v5 =	vld.idx.msk [tilespmem:v6+s3+$0x0], $0xffff  }
.LBB2_7:
0x13b: {  	v6 =	vld [tilespmem:s13+$0x30];
	s12 =	sadd.s32 $0x8, s12;
	[tilespmem:s9+$0x7E0] =	vst v0  }
0x13c: {  	v0 =	vld [tilespmem:s13+$0xFFFFFFD0];
	p1 =	slt.u32 s12, $0x38;
	[tilespmem:s9+$0x7F0] =	vst v2  }
0x13d: {  	v2 =	vld [tilespmem:s13+$0xFFFFFFE0];
	[tilespmem:s9+$0x7C0] =	vst v1  }
0x13e: {  	v1 =	vld [tilespmem:s13+$0xFFFFFFF0];
	[tilespmem:s9+$0x800] =	vst v3  }
0x13f: {  	v3 =	vld [tilespmem:s13+$0x0];
	[tilespmem:s9+$0x810] =	vst v4  }
0x140: {  	v4 =	vld [tilespmem:s13+$0x10];
	[tilespmem:s9+$0x820] =	vst v5  }
0x141: {  	v5 =	vadd.s32 $0x3E8, v0;
	v7 =	vadd.s32 $0x7D0, v0;
	v8 =	vadd.s32 $0xBB8, v0;
	v9 =	vld [tilespmem:s13+$0x20]  }
0x142: {  	v10 =	vld [tilespmem:s13+$0xFFFFFFC0];
	v11 =	vadd.s32 $0x3E8, v2;
	v12 =	vadd.s32 $0x7D0, v2;
	v13 =	vadd.s32 $0xBB8, v2  }
0x143: {  	v14 =	vadd.s32 $0x3E8, v1;
	v15 =	vadd.s32 $0x7D0, v1;
	v16 =	vadd.s32 $0xBB8, v1;
	v17 =	vld.idx.msk [tilespmem:v6+s3+$0x0], $0xffff  }
0x144: {  	v18 =	vld.idx.msk [tilespmem:v0+s3+$0x0], $0xffff;
	v19 =	vadd.s32 $0x3E8, v3;
	v20 =	vadd.s32 $0x7D0, v3;
	v21 =	vadd.s32 $0xBB8, v3  }
0x145: {  	v25 =	vadd.s32 $0x3E8, v6;
	v22 =	vld.idx.msk [tilespmem:v2+s3+$0x0], $0xffff;
	v23 =	vadd.s32 $0x3E8, v4;
	v24 =	vadd.s32 $0x7D0, v4  }
0x146: {  	v27 =	vadd.s32 $0xBB8, v4;
	v26 =	vld.idx.msk [tilespmem:v1+s3+$0x0], $0xffff;
	v28 =	vadd.s32 $0x3E8, v9;
	v29 =	vadd.s32 $0x7D0, v9  }
0x147: {  	v30 =	vadd.s32 $0x3E8, v10;
	v31 =	vadd.s32 $0x7D0, v10;
	v32 =	vadd.s32 $0xBB8, v10;
	v33 =	vld.idx.msk [tilespmem:v3+s3+$0x0], $0xffff  }
0x148: {  	s9 =	sadd.s32 $0x80, s9;
	v0 =	vadd.s32 $0xFA0, v0;
	v36 =	vadd.s32 $0xBB8, v9;
	v34 =	vadd.s32 $0xFA0, v10;
	v35 =	vld.idx.msk [tilespmem:v4+s3+$0x0], $0xffff  }
0x149: {  	v2 =	vadd.s32 $0xFA0, v2;
	v1 =	vadd.s32 $0xFA0, v1;
	v3 =	vadd.s32 $0xFA0, v3;
	v37 =	vld.idx.msk [tilespmem:v9+s3+$0x0], $0xffff;
	[tilespmem:s9+$0xFFFFF830] =	vst v17  }
0x14a: {  	v4 =	vadd.s32 $0xFA0, v4;
	v9 =	vadd.s32 $0xFA0, v9;
	[tilespmem:s9+$0xFFFFF7D0] =	vst v18;
	v17 =	vld.idx.msk [tilespmem:v25+s3+$0x0], $0xffff  }
0x14b: {  	v10 =	vld.idx.msk [tilespmem:v10+s3+$0x0], $0xffff;
	[tilespmem:s9+$0xFFFFF7E0] =	vst v22  }
0x14c: {  	v18 =	vadd.s32 $0x7D0, v6;
	v5 =	vld.idx.msk [tilespmem:v5+s3+$0x0], $0xffff;
	[tilespmem:s9+$0xFFFFF7F0] =	vst v26  }
0x14d: {  	v11 =	vld.idx.msk [tilespmem:v11+s3+$0x0], $0xffff;
	[tilespmem:s9+$0xFFFFF800] =	vst v33  }
0x14e: {  	v14 =	vld.idx.msk [tilespmem:v14+s3+$0x0], $0xffff;
	[tilespmem:s9+$0xFFFFF810] =	vst v35  }
0x14f: {  	v19 =	vld.idx.msk [tilespmem:v19+s3+$0x0], $0xffff;
	[tilespmem:s9+$0xFFFFF820] =	vst v37  }
0x150: {  	v22 =	vld.idx.msk [tilespmem:v23+s3+$0x0], $0xffff;
	[tilespmem:s9+$0xFFFFFC30] =	vst v17  }
0x151: {  	[tilespmem:s9+$0xFFFFF7C0] =	vst v10;
	v10 =	vld.idx.msk [tilespmem:v18+s3+$0x0], $0xffff  }
0x152: {  	v17 =	vld.idx.msk [tilespmem:v30+s3+$0x0], $0xffff;
	[tilespmem:s9+$0xFFFFFBD0] =	vst v5  }
0x153: {  	[tilespmem:s9+$0xFFFFFBE0] =	vst v11;
	v5 =	vld.idx.msk [tilespmem:v28+s3+$0x0], $0xffff;
	v11 =	vadd.s32 $0xBB8, v6  }
0x154: {  	v7 =	vld.idx.msk [tilespmem:v7+s3+$0x0], $0xffff;
	[tilespmem:s9+$0xFFFFFBF0] =	vst v14  }
0x155: {  	v12 =	vld.idx.msk [tilespmem:v12+s3+$0x0], $0xffff;
	[tilespmem:s9+$0xFFFFFC00] =	vst v19  }
0x156: {  	v14 =	vld.idx.msk [tilespmem:v15+s3+$0x0], $0xffff;
	[tilespmem:s9+$0xFFFFFC10] =	vst v22  }
0x157: {  	v15 =	vld.idx.msk [tilespmem:v20+s3+$0x0], $0xffff;
	[tilespmem:s9+$0x30] =	vst v10  }
0x158: {  	[tilespmem:s9+$0xFFFFFBC0] =	vst v17;
	v10 =	vld.idx.msk [tilespmem:v11+s3+$0x0], $0xffff  }
0x159: {  	v11 =	vld.idx.msk [tilespmem:v31+s3+$0x0], $0xffff;
	[tilespmem:s9+$0xFFFFFC20] =	vst v5  }
0x15a: {  	v6 =	vadd.s32 $0xFA0, v6;
	[tilespmem:s9+$0xFFFFFFD0] =	vst v7;
	v5 =	vld.idx.msk [tilespmem:v24+s3+$0x0], $0xffff  }
0x15b: {  	[tilespmem:s9+$0xFFFFFFE0] =	vst v12;
	v7 =	vld.idx.msk [tilespmem:v29+s3+$0x0], $0xffff  }
0x15c: {  	v8 =	vld.idx.msk [tilespmem:v8+s3+$0x0], $0xffff;
	[tilespmem:s9+$0xFFFFFFF0] =	vst v14  }
0x15d: {  	v12 =	vld.idx.msk [tilespmem:v13+s3+$0x0], $0xffff;
	[tilespmem:s9+$0x0] =	vst v15  }
0x15e: {  	v13 =	vld.idx.msk [tilespmem:v16+s3+$0x0], $0xffff;
	[tilespmem:s9+$0x430] =	vst v10  }
0x15f: {  	[tilespmem:s9+$0xFFFFFFC0] =	vst v11;
	v6 =	vld.idx.msk [tilespmem:v6+s3+$0x0], $0xffff  }
0x160: {  	v10 =	vld.idx.msk [tilespmem:v32+s3+$0x0], $0xffff;
	[tilespmem:s9+$0x10] =	vst v5  }
0x161: {  	v5 =	vld.idx.msk [tilespmem:v21+s3+$0x0], $0xffff;
	[tilespmem:s9+$0x20] =	vst v7  }
0x162: {  	[tilespmem:s9+$0x3D0] =	vst v8;
	v7 =	vld.idx.msk [tilespmem:v27+s3+$0x0], $0xffff  }
0x163: {  	[tilespmem:s9+$0x3E0] =	vst v12;
	v8 =	vld.idx.msk [tilespmem:v36+s3+$0x0], $0xffff  }
0x164: {  	v11 =	vld.idx.msk [tilespmem:v0+s3+$0x0], $0xffff;
	[tilespmem:s9+$0x3F0] =	vst v13  }
0x165: {  	v0 =	vld.idx.msk [tilespmem:v2+s3+$0x0], $0xffff;
	[tilespmem:s9+$0x830] =	vst v6  }
.Ltmp2:
0x166: {  	[tilespmem:s9+$0x3C0] =	vst v10;
	v2 =	vld.idx.msk [tilespmem:v1+s3+$0x0], $0xffff;
	(pc) =	sbr.rel @p1 .LBB2_7-.Ltmp2, $4  }
0x167: {  	v1 =	vld.idx.msk [tilespmem:v34+s3+$0x0], $0xffff;
	[tilespmem:s9+$0x400] =	vst v5  }
0x168: {  	v3 =	vld.idx.msk [tilespmem:v3+s3+$0x0], $0xffff;
	[tilespmem:s9+$0x410] =	vst v7  }
0x169: {  	v4 =	vld.idx.msk [tilespmem:v4+s3+$0x0], $0xffff;
	[tilespmem:s9+$0x420] =	vst v8  }
0x16a: {  	s13 =	sadd.s32 $0x80, s13;
	[tilespmem:s9+$0x7D0] =	vst v11;
	v5 =	vld.idx.msk [tilespmem:v9+s3+$0x0], $0xffff  }
0x16b: {  	[tilespmem:s9+$0x7E0] =	vst v0  }
0x16c: {  	[tilespmem:s9+$0x7F0] =	vst v2;
	s11 =	sshll.u32 s11, $0x11;
	s10 =	sshll.u32 s10, $0xA  }
0x16d: {  	[tilespmem:s9+$0x7C0] =	vst v1;
	s10 =	sor.u32 s11, s10  }
0x16e: {  	[tilespmem:s9+$0x800] =	vst v3;
	s10 =	sor.u32 s16, s10  }
0x16f: {  	[tilespmem:s9+$0x810] =	vst v4;
	s10 =	sshrl.u32 s10, $0x3  }
0x170: {  	[tilespmem:s9+$0x820] =	vst v5;
	s13 =	sadd.s32 s2, s10  }
0x171: {  	[hbm4b:s13+s3] =	stream.linear.scatter [tilespmem:s22], [sflag:$0x1], $0x400, $0x38;
	[tilespmem:$0x1CC00] =	vst v63  }
0x172: {  	s10 =	sadd.s32 $0x64000, s13  }
0x173: {  	[hbm4b:s10+s3] =	stream.linear.scatter [tilespmem:s23], [sflag:$0x1], $0x400, $0x38;
	[tilespmem:$0x1CC00] =	vst v63  }
0x174: {  	s11 =	sadd.s32 $0xC8000, s13  }
0x175: {  	[hbm4b:s11+s3] =	stream.linear.scatter [tilespmem:s24], [sflag:$0x1], $0x400, $0x38;
	[tilespmem:$0x1CC00] =	vst v63  }
0x176: {  	s12 =	sadd.s32 $0x12C000, s13  }
0x177: {  	[hbm4b:s12+s3] =	stream.linear.scatter [tilespmem:s25], [sflag:$0x1], $0x400, $0x38;
	[tilespmem:$0x1CC00] =	vst v63  }
0x178: {  	s9 =	sadd.s32 $0x190000, s13  }
0x179: {  	[hbm4b:s9+s3] =	stream.linear.scatter [tilespmem:s26], [sflag:$0x1], $0x400, $0x38;
	[tilespmem:$0x1CC00] =	vst v63  }
0x17a: {  	_ =	swait.ge [sflag:s19], $0x400  }
0x17b: {  	[sflag:s19] =	ssyncset.done $0x0  }
0x17c: {  	[sflag:s19] =	ssyncadd.s32 $0xFFFFFC00  }
0x17d: {  	_ =	swait.ge [sflag:s19], $0x400  }
0x17e: {  	[sflag:s19] =	ssyncset.done $0x0  }
0x17f: {  	[sflag:s19] =	ssyncadd.s32 $0xFFFFFC00  }
0x180: {  	_ =	swait.ge [sflag:s19], $0x400  }
0x181: {  	[sflag:s19] =	ssyncset.done $0x0  }
0x182: {  	[sflag:s19] =	ssyncadd.s32 $0xFFFFFC00  }
0x183: {  	_ =	swait.ge [sflag:s19], $0x400  }
0x184: {  	[sflag:s19] =	ssyncset.done $0x0  }
0x185: {  	[sflag:s19] =	ssyncadd.s32 $0xFFFFFC00  }
0x186: {  	_ =	swait.ge [sflag:s19], $0x400  }
0x187: {  	[sflag:s19] =	ssyncset.done $0x0  }
0x188: {  	[sflag:s19] =	ssyncadd.s32 $0xFFFFFC00  }
0x189: {  	v0 =	vld [tilespmem:s7+$0x0]  }
0x18a: {  	v1 =	vld [tilespmem:s7+$0xFFFFFFA0]  }
0x18b: {  	v2 =	vld [tilespmem:s7+$0xFFFFFFB0]  }
0x18c: {  	v3 =	vld [tilespmem:s7+$0xFFFFFFC0]  }
0x18d: {  	v4 =	vld [tilespmem:s7+$0xFFFFFFD0]  }
0x18e: {  	v5 =	vld [tilespmem:s7+$0xFFFFFFE0]  }
0x18f: {  	v6 =	vld [tilespmem:s7+$0xFFFFFFF0]  }
0x190: {  	v7 =	vld [tilespmem:s7+$0xFFFFFF90]  }
0x191: {  	v8 =	vld.idx.msk [tilespmem:v0+s3+$0x0], $0xffff  }
0x192: {  	v9 =	vld.idx.msk [tilespmem:v1+s3+$0x0], $0xffff  }
0x193: {  	v10 =	vld.idx.msk [tilespmem:v2+s3+$0x0], $0xffff  }
0x194: {  	v11 =	vadd.s32 $0x3E8, v0;
	v12 =	vld.idx.msk [tilespmem:v3+s3+$0x0], $0xffff  }
0x195: {  	v13 =	vadd.s32 $0x3E8, v1;
	v14 =	vld.idx.msk [tilespmem:v4+s3+$0x0], $0xffff  }
0x196: {  	s9 =	simm.s32 $0x1C040;
	v15 =	vadd.s32 $0x3E8, v2;
	v16 =	vld.idx.msk [tilespmem:v5+s3+$0x0], $0xffff  }
0x197: {  	v17 =	vadd.s32 $0x3E8, v3;
	v18 =	vld.idx.msk [tilespmem:v6+s3+$0x0], $0xffff;
	[tilespmem:s9+$0xFFFFF830] =	vst v8  }
0x198: {  	v33 =	vadd.s32 $0x3E8, v4;
	v19 =	vld.idx.msk [tilespmem:v7+s3+$0x0], $0xffff;
	[tilespmem:s9+$0xFFFFF7D0] =	vst v9  }
0x199: {  	v35 =	vadd.s32 $0x3E8, v5;
	[tilespmem:s9+$0xFFFFF7E0] =	vst v10;
	v34 =	vld.idx.msk [tilespmem:v11+s3+$0x0], $0xffff  }
0x19a: {  	v38 =	vadd.s32 $0x3E8, v7;
	[tilespmem:s9+$0xFFFFF7F0] =	vst v12;
	v36 =	vld.idx.msk [tilespmem:v13+s3+$0x0], $0xffff  }
0x19b: {  	v39 =	vadd.s32 $0x3E8, v6;
	[tilespmem:s9+$0xFFFFF800] =	vst v14;
	v15 =	vld.idx.msk [tilespmem:v15+s3+$0x0], $0xffff  }
0x19c: {  	v37 =	vadd.s32 $0x7D0, v0;
	[tilespmem:s9+$0xFFFFF810] =	vst v16;
	v17 =	vld.idx.msk [tilespmem:v17+s3+$0x0], $0xffff  }
0x19d: {  	v40 =	vadd.s32 $0x7D0, v1;
	[tilespmem:s9+$0xFFFFF820] =	vst v18;
	v8 =	vld.idx.msk [tilespmem:v33+s3+$0x0], $0xffff  }
0x19e: {  	v41 =	vadd.s32 $0x7D0, v2;
	[tilespmem:s9+$0xFFFFF7C0] =	vst v19;
	v11 =	vld.idx.msk [tilespmem:v35+s3+$0x0], $0xffff  }
0x19f: {  	v42 =	vadd.s32 $0x7D0, v3;
	v13 =	vld.idx.msk [tilespmem:v38+s3+$0x0], $0xffff;
	[tilespmem:s9+$0xFFFFFC30] =	vst v34  }
0x1a0: {  	v43 =	vadd.s32 $0x7D0, v4;
	v44 =	vld.idx.msk [tilespmem:v39+s3+$0x0], $0xffff;
	[tilespmem:s9+$0xFFFFFBD0] =	vst v36  }
0x1a1: {  	v46 =	vadd.s32 $0x7D0, v7;
	[tilespmem:s9+$0xFFFFFBE0] =	vst v15;
	v12 =	vld.idx.msk [tilespmem:v37+s3+$0x0], $0xffff  }
0x1a2: {  	v47 =	vadd.s32 $0x7D0, v5;
	[tilespmem:s9+$0xFFFFFBF0] =	vst v17;
	v16 =	vld.idx.msk [tilespmem:v40+s3+$0x0], $0xffff  }
0x1a3: {  	v48 =	vadd.s32 $0x7D0, v6;
	[tilespmem:s9+$0xFFFFFC00] =	vst v8;
	v18 =	vld.idx.msk [tilespmem:v41+s3+$0x0], $0xffff  }
0x1a4: {  	v45 =	vadd.s32 $0xBB8, v0;
	[tilespmem:s9+$0xFFFFFC10] =	vst v11;
	v9 =	vld.idx.msk [tilespmem:v42+s3+$0x0], $0xffff  }
0x1a5: {  	v49 =	vadd.s32 $0xBB8, v1;
	[tilespmem:s9+$0xFFFFFBC0] =	vst v13;
	v19 =	vld.idx.msk [tilespmem:v43+s3+$0x0], $0xffff  }
0x1a6: {  	v50 =	vadd.s32 $0xBB8, v2;
	[tilespmem:s9+$0xFFFFFC20] =	vst v44;
	v15 =	vld.idx.msk [tilespmem:v46+s3+$0x0], $0xffff  }
0x1a7: {  	v52 =	vadd.s32 $0xBB8, v3;
	v53 =	vld.idx.msk [tilespmem:v47+s3+$0x0], $0xffff;
	[tilespmem:s9+$0x30] =	vst v12  }
0x1a8: {  	v54 =	vadd.s32 $0xBB8, v7;
	v8 =	vld.idx.msk [tilespmem:v48+s3+$0x0], $0xffff;
	[tilespmem:s9+$0xFFFFFFD0] =	vst v16  }
0x1a9: {  	v55 =	vadd.s32 $0xBB8, v4;
	[tilespmem:s9+$0xFFFFFFE0] =	vst v18;
	v51 =	vld.idx.msk [tilespmem:v45+s3+$0x0], $0xffff  }
0x1aa: {  	v56 =	vadd.s32 $0xBB8, v5;
	[tilespmem:s9+$0xFFFFFFF0] =	vst v9;
	v11 =	vld.idx.msk [tilespmem:v49+s3+$0x0], $0xffff  }
0x1ab: {  	v57 =	vadd.s32 $0xBB8, v6;
	[tilespmem:s9+$0x0] =	vst v19;
	v12 =	vld.idx.msk [tilespmem:v50+s3+$0x0], $0xffff  }
0x1ac: {  	v0 =	vadd.s32 $0xFA0, v0;
	[tilespmem:s9+$0xFFFFFFC0] =	vst v15;
	v14 =	vld.idx.msk [tilespmem:v52+s3+$0x0], $0xffff  }
0x1ad: {  	v1 =	vadd.s32 $0xFA0, v1;
	[tilespmem:s9+$0x10] =	vst v53;
	v58 =	vld.idx.msk [tilespmem:v54+s3+$0x0], $0xffff  }
0x1ae: {  	v2 =	vadd.s32 $0xFA0, v2;
	[tilespmem:s9+$0x20] =	vst v8;
	v59 =	vld.idx.msk [tilespmem:v55+s3+$0x0], $0xffff  }
0x1af: {  	v3 =	vadd.s32 $0xFA0, v3;
	v60 =	vld.idx.msk [tilespmem:v56+s3+$0x0], $0xffff;
	[tilespmem:s9+$0x430] =	vst v51  }
0x1b0: {  	v61 =	vadd.s32 $0xFA0, v4;
	v62 =	vld.idx.msk [tilespmem:v57+s3+$0x0], $0xffff;
	[tilespmem:s9+$0x3D0] =	vst v11  }
0x1b1: {  	v7 =	vadd.s32 $0xFA0, v7;
	[tilespmem:s9+$0x3E0] =	vst v12;
	v0 =	vld.idx.msk [tilespmem:v0+s3+$0x0], $0xffff  }
0x1b2: {  	v5 =	vadd.s32 $0xFA0, v5;
	[tilespmem:s9+$0x3F0] =	vst v14;
	v63 =	vld.idx.msk [tilespmem:v1+s3+$0x0], $0xffff  }
0x1b3: {  	v6 =	vadd.s32 $0xFA0, v6;
	[tilespmem:s9+$0x3C0] =	vst v58;
	v1 =	vld.idx.msk [tilespmem:v2+s3+$0x0], $0xffff  }
0x1b4: {  	[tilespmem:s9+$0x400] =	vst v59;
	v4 =	vld.idx.msk [tilespmem:v3+s3+$0x0], $0xffff  }
0x1b5: {  	[tilespmem:s9+$0x410] =	vst v60;
	v2 =	vld.idx.msk [tilespmem:v61+s3+$0x0], $0xffff  }
0x1b6: {  	s13 =	sadd.s32 $0x3, s8;
	[tilespmem:s9+$0x830] =	vst v0;
	v0 =	vld.idx.msk [tilespmem:v7+s3+$0x0], $0xffff  }
0x1b7: {  	s8 =	sand.u32 $0x3, s13;
	[tilespmem:s9+$0x420] =	vst v62;
	v3 =	vld.idx.msk [tilespmem:v5+s3+$0x0], $0xffff  }
0x1b8: {  	s10 =	sshrl.u32 s13, $0x2;
	s11 =	simm.s32 $0x0;
	s7 =	sadd.s32 $0x80, s7;
	v5 =	vld.idx.msk [tilespmem:v6+s3+$0x0], $0xffff;
	[tilespmem:s9+$0x7D0] =	vst v63  }
.LBB2_9:
0x1b9: {  	v6 =	vld [tilespmem:s7+$0x0];
	s11 =	sadd.s32 $0x8, s11;
	[tilespmem:s9+$0x7E0] =	vst v1  }
0x1ba: {  	v1 =	vld [tilespmem:s7+$0xFFFFFFA0];
	p1 =	slt.u32 s11, $0x38;
	[tilespmem:s9+$0x7F0] =	vst v4  }
0x1bb: {  	v4 =	vld [tilespmem:s7+$0xFFFFFFB0];
	[tilespmem:s9+$0x7C0] =	vst v0  }
0x1bc: {  	v0 =	vld [tilespmem:s7+$0xFFFFFFC0];
	[tilespmem:s9+$0x800] =	vst v2  }
0x1bd: {  	v2 =	vld [tilespmem:s7+$0xFFFFFFD0];
	[tilespmem:s9+$0x810] =	vst v3  }
0x1be: {  	v3 =	vld [tilespmem:s7+$0xFFFFFFE0];
	[tilespmem:s9+$0x820] =	vst v5  }
0x1bf: {  	v5 =	vadd.s32 $0x3E8, v1;
	v7 =	vadd.s32 $0x7D0, v1;
	v8 =	vadd.s32 $0xBB8, v1;
	v9 =	vld [tilespmem:s7+$0xFFFFFFF0]  }
0x1c0: {  	v10 =	vld [tilespmem:s7+$0xFFFFFF90];
	v11 =	vadd.s32 $0x3E8, v4;
	v12 =	vadd.s32 $0x7D0, v4;
	v13 =	vadd.s32 $0xBB8, v4  }
0x1c1: {  	v14 =	vadd.s32 $0x3E8, v0;
	v15 =	vadd.s32 $0x7D0, v0;
	v16 =	vadd.s32 $0xBB8, v0;
	v17 =	vld.idx.msk [tilespmem:v6+s3+$0x0], $0xffff  }
0x1c2: {  	v18 =	vld.idx.msk [tilespmem:v1+s3+$0x0], $0xffff;
	v19 =	vadd.s32 $0x3E8, v2;
	v20 =	vadd.s32 $0x7D0, v2;
	v21 =	vadd.s32 $0xBB8, v2  }
0x1c3: {  	v25 =	vadd.s32 $0x3E8, v6;
	v22 =	vld.idx.msk [tilespmem:v4+s3+$0x0], $0xffff;
	v23 =	vadd.s32 $0x3E8, v3;
	v24 =	vadd.s32 $0x7D0, v3  }
0x1c4: {  	v27 =	vadd.s32 $0xBB8, v3;
	v26 =	vld.idx.msk [tilespmem:v0+s3+$0x0], $0xffff;
	v28 =	vadd.s32 $0x3E8, v9;
	v29 =	vadd.s32 $0x7D0, v9  }
0x1c5: {  	v30 =	vadd.s32 $0x3E8, v10;
	v31 =	vadd.s32 $0x7D0, v10;
	v32 =	vadd.s32 $0xBB8, v10;
	v33 =	vld.idx.msk [tilespmem:v2+s3+$0x0], $0xffff  }
0x1c6: {  	s9 =	sadd.s32 $0x80, s9;
	v1 =	vadd.s32 $0xFA0, v1;
	v36 =	vadd.s32 $0xBB8, v9;
	v34 =	vadd.s32 $0xFA0, v10;
	v35 =	vld.idx.msk [tilespmem:v3+s3+$0x0], $0xffff  }
0x1c7: {  	v4 =	vadd.s32 $0xFA0, v4;
	v0 =	vadd.s32 $0xFA0, v0;
	v2 =	vadd.s32 $0xFA0, v2;
	v37 =	vld.idx.msk [tilespmem:v9+s3+$0x0], $0xffff;
	[tilespmem:s9+$0xFFFFF830] =	vst v17  }
0x1c8: {  	v3 =	vadd.s32 $0xFA0, v3;
	v9 =	vadd.s32 $0xFA0, v9;
	[tilespmem:s9+$0xFFFFF7D0] =	vst v18;
	v17 =	vld.idx.msk [tilespmem:v25+s3+$0x0], $0xffff  }
0x1c9: {  	v10 =	vld.idx.msk [tilespmem:v10+s3+$0x0], $0xffff;
	[tilespmem:s9+$0xFFFFF7E0] =	vst v22  }
0x1ca: {  	v18 =	vadd.s32 $0x7D0, v6;
	v5 =	vld.idx.msk [tilespmem:v5+s3+$0x0], $0xffff;
	[tilespmem:s9+$0xFFFFF7F0] =	vst v26  }
0x1cb: {  	v11 =	vld.idx.msk [tilespmem:v11+s3+$0x0], $0xffff;
	[tilespmem:s9+$0xFFFFF800] =	vst v33  }
0x1cc: {  	v14 =	vld.idx.msk [tilespmem:v14+s3+$0x0], $0xffff;
	[tilespmem:s9+$0xFFFFF810] =	vst v35  }
0x1cd: {  	v19 =	vld.idx.msk [tilespmem:v19+s3+$0x0], $0xffff;
	[tilespmem:s9+$0xFFFFF820] =	vst v37  }
0x1ce: {  	v22 =	vld.idx.msk [tilespmem:v23+s3+$0x0], $0xffff;
	[tilespmem:s9+$0xFFFFFC30] =	vst v17  }
0x1cf: {  	[tilespmem:s9+$0xFFFFF7C0] =	vst v10;
	v10 =	vld.idx.msk [tilespmem:v18+s3+$0x0], $0xffff  }
0x1d0: {  	v17 =	vld.idx.msk [tilespmem:v30+s3+$0x0], $0xffff;
	[tilespmem:s9+$0xFFFFFBD0] =	vst v5  }
0x1d1: {  	[tilespmem:s9+$0xFFFFFBE0] =	vst v11;
	v5 =	vld.idx.msk [tilespmem:v28+s3+$0x0], $0xffff;
	v11 =	vadd.s32 $0xBB8, v6  }
0x1d2: {  	v7 =	vld.idx.msk [tilespmem:v7+s3+$0x0], $0xffff;
	[tilespmem:s9+$0xFFFFFBF0] =	vst v14  }
0x1d3: {  	v12 =	vld.idx.msk [tilespmem:v12+s3+$0x0], $0xffff;
	[tilespmem:s9+$0xFFFFFC00] =	vst v19  }
0x1d4: {  	v14 =	vld.idx.msk [tilespmem:v15+s3+$0x0], $0xffff;
	[tilespmem:s9+$0xFFFFFC10] =	vst v22  }
0x1d5: {  	v15 =	vld.idx.msk [tilespmem:v20+s3+$0x0], $0xffff;
	[tilespmem:s9+$0x30] =	vst v10  }
0x1d6: {  	[tilespmem:s9+$0xFFFFFBC0] =	vst v17;
	v10 =	vld.idx.msk [tilespmem:v11+s3+$0x0], $0xffff  }
0x1d7: {  	v11 =	vld.idx.msk [tilespmem:v31+s3+$0x0], $0xffff;
	[tilespmem:s9+$0xFFFFFC20] =	vst v5  }
0x1d8: {  	v6 =	vadd.s32 $0xFA0, v6;
	[tilespmem:s9+$0xFFFFFFD0] =	vst v7;
	v5 =	vld.idx.msk [tilespmem:v24+s3+$0x0], $0xffff  }
0x1d9: {  	[tilespmem:s9+$0xFFFFFFE0] =	vst v12;
	v7 =	vld.idx.msk [tilespmem:v29+s3+$0x0], $0xffff  }
0x1da: {  	v8 =	vld.idx.msk [tilespmem:v8+s3+$0x0], $0xffff;
	[tilespmem:s9+$0xFFFFFFF0] =	vst v14  }
0x1db: {  	v12 =	vld.idx.msk [tilespmem:v13+s3+$0x0], $0xffff;
	[tilespmem:s9+$0x0] =	vst v15  }
0x1dc: {  	v13 =	vld.idx.msk [tilespmem:v16+s3+$0x0], $0xffff;
	[tilespmem:s9+$0x430] =	vst v10  }
0x1dd: {  	[tilespmem:s9+$0xFFFFFFC0] =	vst v11;
	v6 =	vld.idx.msk [tilespmem:v6+s3+$0x0], $0xffff  }
0x1de: {  	v10 =	vld.idx.msk [tilespmem:v32+s3+$0x0], $0xffff;
	[tilespmem:s9+$0x10] =	vst v5  }
0x1df: {  	v5 =	vld.idx.msk [tilespmem:v21+s3+$0x0], $0xffff;
	[tilespmem:s9+$0x20] =	vst v7  }
0x1e0: {  	[tilespmem:s9+$0x3D0] =	vst v8;
	v7 =	vld.idx.msk [tilespmem:v27+s3+$0x0], $0xffff  }
0x1e1: {  	[tilespmem:s9+$0x3E0] =	vst v12;
	v8 =	vld.idx.msk [tilespmem:v36+s3+$0x0], $0xffff  }
0x1e2: {  	v11 =	vld.idx.msk [tilespmem:v1+s3+$0x0], $0xffff;
	[tilespmem:s9+$0x3F0] =	vst v13  }
0x1e3: {  	v1 =	vld.idx.msk [tilespmem:v4+s3+$0x0], $0xffff;
	[tilespmem:s9+$0x830] =	vst v6  }
.Ltmp3:
0x1e4: {  	[tilespmem:s9+$0x3C0] =	vst v10;
	v4 =	vld.idx.msk [tilespmem:v0+s3+$0x0], $0xffff;
	(pc) =	sbr.rel @p1 .LBB2_9-.Ltmp3, $4  }
0x1e5: {  	v0 =	vld.idx.msk [tilespmem:v34+s3+$0x0], $0xffff;
	[tilespmem:s9+$0x400] =	vst v5  }
0x1e6: {  	v2 =	vld.idx.msk [tilespmem:v2+s3+$0x0], $0xffff;
	[tilespmem:s9+$0x410] =	vst v7  }
0x1e7: {  	v3 =	vld.idx.msk [tilespmem:v3+s3+$0x0], $0xffff;
	[tilespmem:s9+$0x420] =	vst v8  }
0x1e8: {  	s7 =	sadd.s32 $0x80, s7;
	[tilespmem:s9+$0x7D0] =	vst v11;
	v5 =	vld.idx.msk [tilespmem:v9+s3+$0x0], $0xffff  }
0x1e9: {  	[tilespmem:s9+$0x7E0] =	vst v1  }
0x1ea: {  	[tilespmem:s9+$0x7F0] =	vst v4;
	s7 =	sshll.u32 s10, $0x11;
	s8 =	sshll.u32 s8, $0xA  }
0x1eb: {  	[tilespmem:s9+$0x7C0] =	vst v0;
	s7 =	sor.u32 s7, s8  }
0x1ec: {  	[tilespmem:s9+$0x800] =	vst v2;
	s7 =	sor.u32 s16, s7  }
0x1ed: {  	[tilespmem:s9+$0x810] =	vst v3;
	s7 =	sshrl.u32 s7, $0x3  }
0x1ee: {  	[tilespmem:s9+$0x820] =	vst v5;
	s7 =	sadd.s32 s2, s7  }
0x1ef: {  	[hbm4b:s7+s3] =	stream.linear.scatter [tilespmem:s28], [sflag:$0x2], $0x400, $0x38;
	[tilespmem:$0x1CC00] =	vst v63  }
0x1f0: {  	s21 =	sadd.s32 $0x1, s21;
	s11 =	sadd.s32 $0x64000, s7  }
0x1f1: {  	[hbm4b:s11+s3] =	stream.linear.scatter [tilespmem:s29], [sflag:$0x2], $0x400, $0x38;
	[tilespmem:$0x1CC00] =	vst v63  }
0x1f2: {  	p1 =	sne.s32 s21, $0x31;
	s12 =	sadd.s32 $0xC8000, s7  }
0x1f3: {  	[hbm4b:s12+s3] =	stream.linear.scatter [tilespmem:s30], [sflag:$0x2], $0x400, $0x38;
	[tilespmem:$0x1CC00] =	vst v63  }
.Ltmp4:
0x1f4: {  	_ = 	snop;
	(pc) =	sbr.rel @p1 .LBB2_6-.Ltmp4, $4  }
0x1f5: {  	s6 =	sadd.s32 $0x2, s6;
	s13 =	sadd.s32 $0x12C000, s7  }
0x1f6: {  	[hbm4b:s13+s3] =	stream.linear.scatter [tilespmem:s31], [sflag:$0x2], $0x400, $0x38;
	[tilespmem:$0x1CC00] =	vst v63  }
0x1f7: {  	p0 =	por !p0, !p0;
	s4 =	sadd.s32 $0x2, s4;
	s7 =	sadd.s32 $0x190000, s7  }
0x1f8: {  	[hbm4b:s7+s3] =	stream.linear.scatter [tilespmem:s0], [sflag:$0x2], $0x400, $0x38;
	[tilespmem:$0x1CC00] =	vst v63  }
0x1f9: {  	_ =	swait.ge [sflag:s1], $0x400  }
0x1fa: {  	[sflag:s1] =	ssyncset.done $0x0  }
0x1fb: {  	[sflag:s1] =	ssyncadd.s32 $0xFFFFFC00  }
0x1fc: {  	_ =	swait.ge [sflag:s1], $0x400  }
0x1fd: {  	[sflag:s1] =	ssyncset.done $0x0  }
0x1fe: {  	[sflag:s1] =	ssyncadd.s32 $0xFFFFFC00  }
0x1ff: {  	_ =	swait.ge [sflag:s1], $0x400  }
0x200: {  	[sflag:s1] =	ssyncset.done $0x0  }
0x201: {  	[sflag:s1] =	ssyncadd.s32 $0xFFFFFC00  }
0x202: {  	_ =	swait.ge [sflag:s1], $0x400  }
0x203: {  	[sflag:s1] =	ssyncset.done $0x0  }
0x204: {  	[sflag:s1] =	ssyncadd.s32 $0xFFFFFC00  }
0x205: {  	_ =	swait.ge [sflag:s1], $0x400  }
0x206: {  	[sflag:s1] =	ssyncset.done $0x0  }
0x207: {  	[sflag:s1] =	ssyncadd.s32 $0xFFFFFC00  }
0x208: {  	_ =	swait.ge [sflag:s19], $0x400  }
0x209: {  	[sflag:s19] =	ssyncset.done $0x0  }
0x20a: {  	[sflag:s19] =	ssyncadd.s32 $0xFFFFFC00  }
0x20b: {  	_ =	swait.ge [sflag:s19], $0x400  }
0x20c: {  	[sflag:s19] =	ssyncset.done $0x0  }
0x20d: {  	[sflag:s19] =	ssyncadd.s32 $0xFFFFFC00  }
0x20e: {  	_ =	swait.ge [sflag:s19], $0x400  }
0x20f: {  	[sflag:s19] =	ssyncset.done $0x0  }
0x210: {  	s20 =	sadd.s32 $0x1, s20;
	[sflag:s19] =	ssyncadd.s32 $0xFFFFFC00  }
0x211: {  	p0 =	sne.s32 s20, s17;
	_ =	swait.ge [sflag:s19], $0x400  }
.Ltmp5:
0x212: {  	[sflag:s19] =	ssyncset.done $0x0;
	(pc) =	sbr.rel @p0 .LBB2_1-.Ltmp5, $4  }
0x213: {  	[sflag:s19] =	ssyncadd.s32 $0xFFFFFC00  }
0x214: {  	_ =	swait.ge [sflag:s19], $0x400  }
0x215: {  	[sflag:s19] =	ssyncset.done $0x0  }
0x216: {  	[sflag:s19] =	ssyncadd.s32 $0xFFFFFC00  }
0x217: {  	_ =	sfence.sel $0x180000  }
0x218: {  	[bflag:$0x0] =	sbarrier.arrive $0xFFFF  }
0x219: {  	_ =	strace $0x90000047  }
0x21a: {  	s0 =	stileid.u32;
	[bflag:$0x2] =	sbarrier.arrive $0xFFFF  }
0x21b: {  	p0 =	sne.s32 s0, $0x0;
	s0 =	rddreg [dreg:$0x3]  }
0x21c: {  	s0 =	sadd.s32 @!p0 $0x100000, s0  }
0x21d: {  	[sflag:s0] =	ssyncadd.tile.s32 @!p0 $0x1;
	_ =	shalt  }
.Lfunc_end2:
_tile_overlayer_lowered:
.L_overlay_start_2:
0x21e: {  	(tag) =	ssettag $0x2  }
0x21f: {  	s0 =	rddreg [dreg:$0x0];
	s2 =	stileid.u32  }
0x220: {  	s1 =	rddreg [dreg:$0x1];
	p0 =	sne.s32 s2, $0x0  }
0x221: {  	s3 =	rddreg [dreg:$0x2];
	[bflag:$0x3] =	sbarrier.arrive $0xFFFF;
	s2 =	simm.s32 @!p0 $0x1C03  }
0x222: {  	[timem:s3], [sflag:s2] =	dma.local @!p0 [hbm:s0], s1  }
0x223: {  	s0 =	simm.s32 @!p0 $0x3  }
0x224: {  	_ =	swait.ge @!p0 [sflag:s0], s1  }
0x225: {  	s1 =	ssub.s32 @!p0 $0x0, s1;
	[sflag:s0] =	ssyncset.done @!p0 $0x0  }
0x226: {  	[sflag:s0] =	ssyncadd.s32 @!p0 s1  }
0x227: {  	[bflag:$0x3] =	sbarrier.arrive $0xFFFF  }
0x228: {  	_ =	shalt  }

</sc_bundles>
